<compile_context>
chip_gen: v7x
topology: tpu7x:2x2x1
jax: 0.10.2.dev20260603
libtpu: 0.0.44.dev20260713+nightly
codegen_flags: <defaults>
</compile_context>

<pallas_src>
import functools

import jax
import jax.numpy as jnp
from jax import lax
from jax.experimental import pallas as pl
from jax.experimental.pallas import tpu as pltpu
from jax.experimental.pallas import tpu_sc as plsc

D = 64
NC = 2
NS = 16
NW = NC * NS
CHUNK = 128
GATHER_ROWS = 128
N_GATHER = CHUNK // GATHER_ROWS
NBUF = 8
LEAD = 4


def _make_lookup(B: int):
  assert B % (NW * CHUNK) == 0
  b_per_w = B // NW
  n_chunks = b_per_w // CHUNK
  assert 2 * LEAD <= NBUF
  assert n_chunks >= 2 * LEAD and (n_chunks - 2 * LEAD) % NBUF == 0
  mesh = plsc.VectorSubcoreMesh(core_axis_name="c", subcore_axis_name="s")

  @functools.partial(
      pl.kernel,
      mesh=mesh,
      out_type=jax.ShapeDtypeStruct((B, D), jnp.float32),
      scratch_types=[
          pltpu.VMEM((b_per_w,), jnp.int32),
          pltpu.VMEM((NBUF, CHUNK, D), jnp.float32),
          pltpu.SemaphoreType.DMA,
          pltpu.SemaphoreType.DMA,
      ],
      compiler_params=pltpu.CompilerParams(use_tc_tiling_on_sc=False),
  )
  def lookup(idx_hbm, table_hbm, out_hbm, idx_v, rows_v, gsem, ssem):
    wid = lax.axis_index("s") * NC + lax.axis_index("c")
    base = wid * b_per_w
    pltpu.sync_copy(idx_hbm.at[pl.ds(base, b_per_w)], idx_v)

    def issue_gather(g, b):
      for j in range(N_GATHER):
        pltpu.async_copy(
            table_hbm.at[idx_v.at[pl.ds(g * CHUNK + j * GATHER_ROWS,
                                        GATHER_ROWS)]],
            rows_v.at[b, pl.ds(j * GATHER_ROWS, GATHER_ROWS), :],
            gsem,
        )

    def wait_gather(b):
      pltpu.make_async_copy(
          table_hbm.at[pl.ds(0, CHUNK), :], rows_v.at[b], gsem).wait()

    def issue_store(g, b):
      pltpu.async_copy(
          rows_v.at[b], out_hbm.at[pl.ds(base + g * CHUNK, CHUNK), :], ssem)

    def drain_store(b):
      pltpu.make_async_copy(
          rows_v.at[b], out_hbm.at[pl.ds(0, CHUNK), :], ssem).wait()

    for g in range(LEAD):
      issue_gather(g, g % NBUF)
    for g in range(LEAD):
      b = g % NBUF
      wait_gather(b)
      issue_store(g, b)
      issue_gather(g + LEAD, (g + LEAD) % NBUF)

    steady = n_chunks - 2 * LEAD

    def body(i, carry):
      g0 = LEAD + i * NBUF
      for t in range(NBUF):
        b = (LEAD + t) % NBUF
        g = g0 + t
        wait_gather(b)
        issue_store(g, b)
        drain_store((b + LEAD) % NBUF)
        issue_gather(g + LEAD, (b + LEAD) % NBUF)
      return carry

    assert steady % NBUF == 0
    lax.fori_loop(0, steady // NBUF, body, 0)

    for k in range(LEAD):
      g = n_chunks - LEAD + k
      b = g % NBUF
      wait_gather(b)
      issue_store(g, b)
      drain_store((b + LEAD) % NBUF)
    for k in range(LEAD):
      drain_store((n_chunks - LEAD + k) % NBUF)

  return lookup


def kernel(token_ids, W):
  B = token_ids.shape[0] * token_ids.shape[1]
  idx = token_ids.reshape(B).astype(jnp.int32)
  out = _make_lookup(B)(idx, W)
  return out.reshape(token_ids.shape[0], token_ids.shape[1], W.shape[1])

# --- scband reference (transcript-rebuilt; emitter-appended) ---
"""Pipeline reference for scband-embedding-16844861734950 (READ-ONLY COPY).

The authoritative reference and input builder live on the scoring server;
editing this copy changes nothing except your own understanding.
"""

import jax, jax.numpy as jnp
import numpy as np

NUM_EMBEDDINGS = 1000000
EMBEDDING_DIM = 64

def setup_inputs(seed: int = 0) -> dict:
    key = jax.random.key(seed)
    k_idx, k_w = jax.random.split(key)
    token_ids = jax.random.randint(k_idx, (16384, 50), 0, NUM_EMBEDDINGS, dtype=jnp.int64 if jax.config.jax_enable_x64 else jnp.int32)
    bound = 1.0 / EMBEDDING_DIM
    W = jax.random.uniform(k_w, (NUM_EMBEDDINGS, EMBEDDING_DIM), dtype=jnp.float32, minval=-bound, maxval=bound)
    return {"token_ids": token_ids, "W": W}

def reference(token_ids, W):
    # Faithful translation of: return self.W[token_ids]
    return jnp.take(W, token_ids, axis=0)

if __name__ == "__main__":
    import jax
    _d = setup_inputs()
    print(jax.jit(kernel)(*tuple(_d.values())))

</pallas_src>

<mosaic_0001>
#map = affine_map<(d0, d1) -> (0)>
#map1 = affine_map<(d0, d1) -> (0, 0)>
module attributes {stable_mosaic.version = 14 : i64} {
  func.func @lookup(%arg0: i32, %arg1: i32, %arg2: memref<819200xi32, #tpu.memory_space<hbm>>, %arg3: memref<1000000x64xf32, #tpu.memory_space<hbm>>, %arg4: memref<819200x64xf32, #tpu.memory_space<hbm>>, %arg5: memref<25600xi32, #tpu.memory_space<vmem>>, %arg6: memref<8x128x64xf32, #tpu.memory_space<vmem>>, %arg7: memref<!tpu.dma_semaphore, #tpu.memory_space<semaphore_mem>>, %arg8: memref<!tpu.dma_semaphore, #tpu.memory_space<semaphore_mem>>) attributes {dimension_semantics = [#tpu.dimension_semantics<core_parallel>, #tpu.dimension_semantics<subcore_parallel>], iteration_bounds = array<i64: 2, 16>, scalar_prefetch = 0 : i64, scratch_operands = 4 : i64, tpu.core_type = #tpu.core_type<sc_vector_subcore>, window_params = [{transform_indices = #map}, {transform_indices = #map1}, {transform_indices = #map1}]} {
    %mul3A = arith.constant 2 : i32
    %mul3A_0 = arith.muli %arg1, %mul3A : i32
    %add3A = arith.addi %mul3A_0, %arg0 : i32
    %mul3A_1 = arith.constant 25600 : i32
    %mul3A_2 = arith.muli %add3A, %mul3A_1 : i32
    "tpu.region"() ({
      %run_scoped3A = tpu.sem_alloc : memref<!tpu.dma_semaphore, #tpu.memory_space<semaphore_mem>>
      %dma_start3A_446 = tpu.memref_slice %arg2[%mul3A_2] : memref<819200xi32, #tpu.memory_space<hbm>> -> memref<25600xi32, #tpu.memory_space<hbm>>
      %dma_start3A_447 = tpu.memref_slice %arg2[%mul3A_2] : memref<819200xi32, #tpu.memory_space<hbm>> -> memref<25600xi32, #tpu.memory_space<hbm>>
      tpu.enqueue_dma source(%dma_start3A_447 : memref<25600xi32, #tpu.memory_space<hbm>>) target(%arg5 : memref<25600xi32, #tpu.memory_space<vmem>>) target_semaphore(%run_scoped3A : memref<!tpu.dma_semaphore, #tpu.memory_space<semaphore_mem>>)
      %dma_wait3A_448 = tpu.memref_slice %arg2[%mul3A_2] : memref<819200xi32, #tpu.memory_space<hbm>> -> memref<25600xi32, #tpu.memory_space<hbm>>
      %dma_wait3A_449 = tpu.memref_slice %arg2[%mul3A_2] : memref<819200xi32, #tpu.memory_space<hbm>> -> memref<25600xi32, #tpu.memory_space<hbm>>
      tpu.wait_dma2 semaphore(%run_scoped3A : memref<!tpu.dma_semaphore, #tpu.memory_space<semaphore_mem>>) src(%dma_wait3A_449 : memref<25600xi32, #tpu.memory_space<hbm>>) dst(%arg5 : memref<25600xi32, #tpu.memory_space<vmem>>)
      tpu.yield
    }) : () -> ()
    %dma_start3A = arith.constant 0 : i32
    %dma_start3A_3 = arith.constant 0 : i32
    %dma_start3A_4 = arith.constant 0 : i32
    %dma_start3A_5 = tpu.memref_slice %arg6[%dma_start3A, %dma_start3A_3, %dma_start3A_4] : memref<8x128x64xf32, #tpu.memory_space<vmem>> -> memref<1x128x64xf32, #tpu.memory_space<vmem>>
    %dma_start3A_6 = tpu.memref_squeeze %dma_start3A_5 : memref<1x128x64xf32, #tpu.memory_space<vmem>> -> memref<128x64xf32, #tpu.memory_space<vmem>>
    %dma_start3A_7 = arith.constant 0 : i32
    %dma_start3A_8 = tpu.memref_slice %arg5[%dma_start3A_7] : memref<25600xi32, #tpu.memory_space<vmem>> -> memref<128xi32, #tpu.memory_space<vmem>>
    %dma_start3A_9 = arith.constant 0 : i32
    %dma_start3A_10 = arith.constant 0 : i32
    %dma_start3A_11 = tpu.memref_slice %arg3[%dma_start3A_9, %dma_start3A_10] : memref<1000000x64xf32, #tpu.memory_space<hbm>> -> memref<1000000x64xf32, #tpu.memory_space<hbm>>
    tpu.enqueue_indirect_dma source(%dma_start3A_11 : memref<1000000x64xf32, #tpu.memory_space<hbm>>) target(%dma_start3A_6 : memref<128x64xf32, #tpu.memory_space<vmem>>) offsets(%dma_start3A_8 : memref<128xi32, #tpu.memory_space<vmem>>) semaphore(%arg7 : memref<!tpu.dma_semaphore, #tpu.memory_space<semaphore_mem>>)
    %dma_start3A_12 = arith.constant 1 : i32
    %dma_start3A_13 = arith.constant 0 : i32
    %dma_start3A_14 = arith.constant 0 : i32
    %dma_start3A_15 = tpu.memref_slice %arg6[%dma_start3A_12, %dma_start3A_13, %dma_start3A_14] : memref<8x128x64xf32, #tpu.memory_space<vmem>> -> memref<1x128x64xf32, #tpu.memory_space<vmem>>
    %dma_start3A_16 = tpu.memref_squeeze %dma_start3A_15 : memref<1x128x64xf32, #tpu.memory_space<vmem>> -> memref<128x64xf32, #tpu.memory_space<vmem>>
    %dma_start3A_17 = arith.constant 128 : i32
    %dma_start3A_18 = tpu.memref_slice %arg5[%dma_start3A_17] : memref<25600xi32, #tpu.memory_space<vmem>> -> memref<128xi32, #tpu.memory_space<vmem>>
    %dma_start3A_19 = arith.constant 0 : i32
    %dma_start3A_20 = arith.constant 0 : i32
    %dma_start3A_21 = tpu.memref_slice %arg3[%dma_start3A_19, %dma_start3A_20] : memref<1000000x64xf32, #tpu.memory_space<hbm>> -> memref<1000000x64xf32, #tpu.memory_space<hbm>>
    tpu.enqueue_indirect_dma source(%dma_start3A_21 : memref<1000000x64xf32, #tpu.memory_space<hbm>>) target(%dma_start3A_16 : memref<128x64xf32, #tpu.memory_space<vmem>>) offsets(%dma_start3A_18 : memref<128xi32, #tpu.memory_space<vmem>>) semaphore(%arg7 : memref<!tpu.dma_semaphore, #tpu.memory_space<semaphore_mem>>)
    %dma_start3A_22 = arith.constant 2 : i32
    %dma_start3A_23 = arith.constant 0 : i32
    %dma_start3A_24 = arith.constant 0 : i32
    %dma_start3A_25 = tpu.memref_slice %arg6[%dma_start3A_22, %dma_start3A_23, %dma_start3A_24] : memref<8x128x64xf32, #tpu.memory_space<vmem>> -> memref<1x128x64xf32, #tpu.memory_space<vmem>>
    %dma_start3A_26 = tpu.memref_squeeze %dma_start3A_25 : memref<1x128x64xf32, #tpu.memory_space<vmem>> -> memref<128x64xf32, #tpu.memory_space<vmem>>
    %dma_start3A_27 = arith.constant 256 : i32
    %dma_start3A_28 = tpu.memref_slice %arg5[%dma_start3A_27] : memref<25600xi32, #tpu.memory_space<vmem>> -> memref<128xi32, #tpu.memory_space<vmem>>
    %dma_start3A_29 = arith.constant 0 : i32
    %dma_start3A_30 = arith.constant 0 : i32
    %dma_start3A_31 = tpu.memref_slice %arg3[%dma_start3A_29, %dma_start3A_30] : memref<1000000x64xf32, #tpu.memory_space<hbm>> -> memref<1000000x64xf32, #tpu.memory_space<hbm>>
    tpu.enqueue_indirect_dma source(%dma_start3A_31 : memref<1000000x64xf32, #tpu.memory_space<hbm>>) target(%dma_start3A_26 : memref<128x64xf32, #tpu.memory_space<vmem>>) offsets(%dma_start3A_28 : memref<128xi32, #tpu.memory_space<vmem>>) semaphore(%arg7 : memref<!tpu.dma_semaphore, #tpu.memory_space<semaphore_mem>>)
    %dma_start3A_32 = arith.constant 3 : i32
    %dma_start3A_33 = arith.constant 0 : i32
    %dma_start3A_34 = arith.constant 0 : i32
    %dma_start3A_35 = tpu.memref_slice %arg6[%dma_start3A_32, %dma_start3A_33, %dma_start3A_34] : memref<8x128x64xf32, #tpu.memory_space<vmem>> -> memref<1x128x64xf32, #tpu.memory_space<vmem>>
    %dma_start3A_36 = tpu.memref_squeeze %dma_start3A_35 : memref<1x128x64xf32, #tpu.memory_space<vmem>> -> memref<128x64xf32, #tpu.memory_space<vmem>>
    %dma_start3A_37 = arith.constant 384 : i32
    %dma_start3A_38 = tpu.memref_slice %arg5[%dma_start3A_37] : memref<25600xi32, #tpu.memory_space<vmem>> -> memref<128xi32, #tpu.memory_space<vmem>>
    %dma_start3A_39 = arith.constant 0 : i32
    %dma_start3A_40 = arith.constant 0 : i32
    %dma_start3A_41 = tpu.memref_slice %arg3[%dma_start3A_39, %dma_start3A_40] : memref<1000000x64xf32, #tpu.memory_space<hbm>> -> memref<1000000x64xf32, #tpu.memory_space<hbm>>
    tpu.enqueue_indirect_dma source(%dma_start3A_41 : memref<1000000x64xf32, #tpu.memory_space<hbm>>) target(%dma_start3A_36 : memref<128x64xf32, #tpu.memory_space<vmem>>) offsets(%dma_start3A_38 : memref<128xi32, #tpu.memory_space<vmem>>) semaphore(%arg7 : memref<!tpu.dma_semaphore, #tpu.memory_space<semaphore_mem>>)
    %dma_wait3A = arith.constant 0 : i32
    %dma_wait3A_42 = arith.constant 0 : i32
    %dma_wait3A_43 = arith.constant 0 : i32
    %dma_wait3A_44 = tpu.memref_slice %arg6[%dma_wait3A, %dma_wait3A_42, %dma_wait3A_43] : memref<8x128x64xf32, #tpu.memory_space<vmem>> -> memref<1x128x64xf32, #tpu.memory_space<vmem>>
    %dma_wait3A_45 = tpu.memref_squeeze %dma_wait3A_44 : memref<1x128x64xf32, #tpu.memory_space<vmem>> -> memref<128x64xf32, #tpu.memory_space<vmem>>
    %dma_wait3A_46 = arith.constant 0 : i32
    %dma_wait3A_47 = arith.constant 0 : i32
    %dma_wait3A_48 = tpu.memref_slice %arg3[%dma_wait3A_46, %dma_wait3A_47] : memref<1000000x64xf32, #tpu.memory_space<hbm>> -> memref<128x64xf32, #tpu.memory_space<hbm>>
    %dma_wait3A_49 = arith.constant 0 : i32
    %dma_wait3A_50 = arith.constant 0 : i32
    %dma_wait3A_51 = tpu.memref_slice %arg6[%dma_wait3A, %dma_wait3A_49, %dma_wait3A_50] : memref<8x128x64xf32, #tpu.memory_space<vmem>> -> memref<1x128x64xf32, #tpu.memory_space<vmem>>
    %dma_wait3A_52 = tpu.memref_squeeze %dma_wait3A_51 : memref<1x128x64xf32, #tpu.memory_space<vmem>> -> memref<128x64xf32, #tpu.memory_space<vmem>>
    %dma_wait3A_53 = arith.constant 0 : i32
    %dma_wait3A_54 = arith.constant 0 : i32
    %dma_wait3A_55 = tpu.memref_slice %arg3[%dma_wait3A_53, %dma_wait3A_54] : memref<1000000x64xf32, #tpu.memory_space<hbm>> -> memref<128x64xf32, #tpu.memory_space<hbm>>
    tpu.wait_dma2 semaphore(%arg7 : memref<!tpu.dma_semaphore, #tpu.memory_space<semaphore_mem>>) src(%dma_wait3A_55 : memref<128x64xf32, #tpu.memory_space<hbm>>) dst(%dma_wait3A_52 : memref<128x64xf32, #tpu.memory_space<vmem>>)
    %add3A_56 = arith.constant 0 : i32
    %add3A_57 = arith.addi %mul3A_2, %add3A_56 : i32
    %dma_start3A_58 = arith.constant 0 : i32
    %dma_start3A_59 = arith.constant 0 : i32
    %dma_start3A_60 = arith.constant 0 : i32
    %dma_start3A_61 = tpu.memref_slice %arg6[%dma_start3A_58, %dma_start3A_59, %dma_start3A_60] : memref<8x128x64xf32, #tpu.memory_space<vmem>> -> memref<1x128x64xf32, #tpu.memory_space<vmem>>
    %dma_start3A_62 = tpu.memref_squeeze %dma_start3A_61 : memref<1x128x64xf32, #tpu.memory_space<vmem>> -> memref<128x64xf32, #tpu.memory_space<vmem>>
    %dma_start3A_63 = arith.constant 0 : i32
    %dma_start3A_64 = tpu.memref_slice %arg4[%add3A_57, %dma_start3A_63] : memref<819200x64xf32, #tpu.memory_space<hbm>> -> memref<128x64xf32, #tpu.memory_space<hbm>>
    %dma_start3A_65 = arith.constant 0 : i32
    %dma_start3A_66 = tpu.memref_slice %arg4[%add3A_57, %dma_start3A_65] : memref<819200x64xf32, #tpu.memory_space<hbm>> -> memref<128x64xf32, #tpu.memory_space<hbm>>
    %dma_start3A_67 = arith.constant 0 : i32
    %dma_start3A_68 = arith.constant 0 : i32
    %dma_start3A_69 = tpu.memref_slice %arg6[%dma_start3A_58, %dma_start3A_67, %dma_start3A_68] : memref<8x128x64xf32, #tpu.memory_space<vmem>> -> memref<1x128x64xf32, #tpu.memory_space<vmem>>
    %dma_start3A_70 = tpu.memref_squeeze %dma_start3A_69 : memref<1x128x64xf32, #tpu.memory_space<vmem>> -> memref<128x64xf32, #tpu.memory_space<vmem>>
    tpu.enqueue_dma source(%dma_start3A_70 : memref<128x64xf32, #tpu.memory_space<vmem>>) target(%dma_start3A_66 : memref<128x64xf32, #tpu.memory_space<hbm>>) target_semaphore(%arg8 : memref<!tpu.dma_semaphore, #tpu.memory_space<semaphore_mem>>)
    %dma_start3A_71 = arith.constant 4 : i32
    %dma_start3A_72 = arith.constant 0 : i32
    %dma_start3A_73 = arith.constant 0 : i32
    %dma_start3A_74 = tpu.memref_slice %arg6[%dma_start3A_71, %dma_start3A_72, %dma_start3A_73] : memref<8x128x64xf32, #tpu.memory_space<vmem>> -> memref<1x128x64xf32, #tpu.memory_space<vmem>>
    %dma_start3A_75 = tpu.memref_squeeze %dma_start3A_74 : memref<1x128x64xf32, #tpu.memory_space<vmem>> -> memref<128x64xf32, #tpu.memory_space<vmem>>
    %dma_start3A_76 = arith.constant 512 : i32
    %dma_start3A_77 = tpu.memref_slice %arg5[%dma_start3A_76] : memref<25600xi32, #tpu.memory_space<vmem>> -> memref<128xi32, #tpu.memory_space<vmem>>
    %dma_start3A_78 = arith.constant 0 : i32
    %dma_start3A_79 = arith.constant 0 : i32
    %dma_start3A_80 = tpu.memref_slice %arg3[%dma_start3A_78, %dma_start3A_79] : memref<1000000x64xf32, #tpu.memory_space<hbm>> -> memref<1000000x64xf32, #tpu.memory_space<hbm>>
    tpu.enqueue_indirect_dma source(%dma_start3A_80 : memref<1000000x64xf32, #tpu.memory_space<hbm>>) target(%dma_start3A_75 : memref<128x64xf32, #tpu.memory_space<vmem>>) offsets(%dma_start3A_77 : memref<128xi32, #tpu.memory_space<vmem>>) semaphore(%arg7 : memref<!tpu.dma_semaphore, #tpu.memory_space<semaphore_mem>>)
    %dma_wait3A_81 = arith.constant 1 : i32
    %dma_wait3A_82 = arith.constant 0 : i32
    %dma_wait3A_83 = arith.constant 0 : i32
    %dma_wait3A_84 = tpu.memref_slice %arg6[%dma_wait3A_81, %dma_wait3A_82, %dma_wait3A_83] : memref<8x128x64xf32, #tpu.memory_space<vmem>> -> memref<1x128x64xf32, #tpu.memory_space<vmem>>
    %dma_wait3A_85 = tpu.memref_squeeze %dma_wait3A_84 : memref<1x128x64xf32, #tpu.memory_space<vmem>> -> memref<128x64xf32, #tpu.memory_space<vmem>>
    %dma_wait3A_86 = arith.constant 0 : i32
    %dma_wait3A_87 = arith.constant 0 : i32
    %dma_wait3A_88 = tpu.memref_slice %arg3[%dma_wait3A_86, %dma_wait3A_87] : memref<1000000x64xf32, #tpu.memory_space<hbm>> -> memref<128x64xf32, #tpu.memory_space<hbm>>
    %dma_wait3A_89 = arith.constant 0 : i32
    %dma_wait3A_90 = arith.constant 0 : i32
    %dma_wait3A_91 = tpu.memref_slice %arg6[%dma_wait3A_81, %dma_wait3A_89, %dma_wait3A_90] : memref<8x128x64xf32, #tpu.memory_space<vmem>> -> memref<1x128x64xf32, #tpu.memory_space<vmem>>
    %dma_wait3A_92 = tpu.memref_squeeze %dma_wait3A_91 : memref<1x128x64xf32, #tpu.memory_space<vmem>> -> memref<128x64xf32, #tpu.memory_space<vmem>>
    %dma_wait3A_93 = arith.constant 0 : i32
    %dma_wait3A_94 = arith.constant 0 : i32
    %dma_wait3A_95 = tpu.memref_slice %arg3[%dma_wait3A_93, %dma_wait3A_94] : memref<1000000x64xf32, #tpu.memory_space<hbm>> -> memref<128x64xf32, #tpu.memory_space<hbm>>
    tpu.wait_dma2 semaphore(%arg7 : memref<!tpu.dma_semaphore, #tpu.memory_space<semaphore_mem>>) src(%dma_wait3A_95 : memref<128x64xf32, #tpu.memory_space<hbm>>) dst(%dma_wait3A_92 : memref<128x64xf32, #tpu.memory_space<vmem>>)
    %add3A_96 = arith.constant 128 : i32
    %add3A_97 = arith.addi %mul3A_2, %add3A_96 : i32
    %dma_start3A_98 = arith.constant 1 : i32
    %dma_start3A_99 = arith.constant 0 : i32
    %dma_start3A_100 = arith.constant 0 : i32
    %dma_start3A_101 = tpu.memref_slice %arg6[%dma_start3A_98, %dma_start3A_99, %dma_start3A_100] : memref<8x128x64xf32, #tpu.memory_space<vmem>> -> memref<1x128x64xf32, #tpu.memory_space<vmem>>
    %dma_start3A_102 = tpu.memref_squeeze %dma_start3A_101 : memref<1x128x64xf32, #tpu.memory_space<vmem>> -> memref<128x64xf32, #tpu.memory_space<vmem>>
    %dma_start3A_103 = arith.constant 0 : i32
    %dma_start3A_104 = tpu.memref_slice %arg4[%add3A_97, %dma_start3A_103] : memref<819200x64xf32, #tpu.memory_space<hbm>> -> memref<128x64xf32, #tpu.memory_space<hbm>>
    %dma_start3A_105 = arith.constant 0 : i32
    %dma_start3A_106 = tpu.memref_slice %arg4[%add3A_97, %dma_start3A_105] : memref<819200x64xf32, #tpu.memory_space<hbm>> -> memref<128x64xf32, #tpu.memory_space<hbm>>
    %dma_start3A_107 = arith.constant 0 : i32
    %dma_start3A_108 = arith.constant 0 : i32
    %dma_start3A_109 = tpu.memref_slice %arg6[%dma_start3A_98, %dma_start3A_107, %dma_start3A_108] : memref<8x128x64xf32, #tpu.memory_space<vmem>> -> memref<1x128x64xf32, #tpu.memory_space<vmem>>
    %dma_start3A_110 = tpu.memref_squeeze %dma_start3A_109 : memref<1x128x64xf32, #tpu.memory_space<vmem>> -> memref<128x64xf32, #tpu.memory_space<vmem>>
    tpu.enqueue_dma source(%dma_start3A_110 : memref<128x64xf32, #tpu.memory_space<vmem>>) target(%dma_start3A_106 : memref<128x64xf32, #tpu.memory_space<hbm>>) target_semaphore(%arg8 : memref<!tpu.dma_semaphore, #tpu.memory_space<semaphore_mem>>)
    %dma_start3A_111 = arith.constant 5 : i32
    %dma_start3A_112 = arith.constant 0 : i32
    %dma_start3A_113 = arith.constant 0 : i32
    %dma_start3A_114 = tpu.memref_slice %arg6[%dma_start3A_111, %dma_start3A_112, %dma_start3A_113] : memref<8x128x64xf32, #tpu.memory_space<vmem>> -> memref<1x128x64xf32, #tpu.memory_space<vmem>>
    %dma_start3A_115 = tpu.memref_squeeze %dma_start3A_114 : memref<1x128x64xf32, #tpu.memory_space<vmem>> -> memref<128x64xf32, #tpu.memory_space<vmem>>
    %dma_start3A_116 = arith.constant 640 : i32
    %dma_start3A_117 = tpu.memref_slice %arg5[%dma_start3A_116] : memref<25600xi32, #tpu.memory_space<vmem>> -> memref<128xi32, #tpu.memory_space<vmem>>
    %dma_start3A_118 = arith.constant 0 : i32
    %dma_start3A_119 = arith.constant 0 : i32
    %dma_start3A_120 = tpu.memref_slice %arg3[%dma_start3A_118, %dma_start3A_119] : memref<1000000x64xf32, #tpu.memory_space<hbm>> -> memref<1000000x64xf32, #tpu.memory_space<hbm>>
    tpu.enqueue_indirect_dma source(%dma_start3A_120 : memref<1000000x64xf32, #tpu.memory_space<hbm>>) target(%dma_start3A_115 : memref<128x64xf32, #tpu.memory_space<vmem>>) offsets(%dma_start3A_117 : memref<128xi32, #tpu.memory_space<vmem>>) semaphore(%arg7 : memref<!tpu.dma_semaphore, #tpu.memory_space<semaphore_mem>>)
    %dma_wait3A_121 = arith.constant 2 : i32
    %dma_wait3A_122 = arith.constant 0 : i32
    %dma_wait3A_123 = arith.constant 0 : i32
    %dma_wait3A_124 = tpu.memref_slice %arg6[%dma_wait3A_121, %dma_wait3A_122, %dma_wait3A_123] : memref<8x128x64xf32, #tpu.memory_space<vmem>> -> memref<1x128x64xf32, #tpu.memory_space<vmem>>
    %dma_wait3A_125 = tpu.memref_squeeze %dma_wait3A_124 : memref<1x128x64xf32, #tpu.memory_space<vmem>> -> memref<128x64xf32, #tpu.memory_space<vmem>>
    %dma_wait3A_126 = arith.constant 0 : i32
    %dma_wait3A_127 = arith.constant 0 : i32
    %dma_wait3A_128 = tpu.memref_slice %arg3[%dma_wait3A_126, %dma_wait3A_127] : memref<1000000x64xf32, #tpu.memory_space<hbm>> -> memref<128x64xf32, #tpu.memory_space<hbm>>
    %dma_wait3A_129 = arith.constant 0 : i32
    %dma_wait3A_130 = arith.constant 0 : i32
    %dma_wait3A_131 = tpu.memref_slice %arg6[%dma_wait3A_121, %dma_wait3A_129, %dma_wait3A_130] : memref<8x128x64xf32, #tpu.memory_space<vmem>> -> memref<1x128x64xf32, #tpu.memory_space<vmem>>
    %dma_wait3A_132 = tpu.memref_squeeze %dma_wait3A_131 : memref<1x128x64xf32, #tpu.memory_space<vmem>> -> memref<128x64xf32, #tpu.memory_space<vmem>>
    %dma_wait3A_133 = arith.constant 0 : i32
    %dma_wait3A_134 = arith.constant 0 : i32
    %dma_wait3A_135 = tpu.memref_slice %arg3[%dma_wait3A_133, %dma_wait3A_134] : memref<1000000x64xf32, #tpu.memory_space<hbm>> -> memref<128x64xf32, #tpu.memory_space<hbm>>
    tpu.wait_dma2 semaphore(%arg7 : memref<!tpu.dma_semaphore, #tpu.memory_space<semaphore_mem>>) src(%dma_wait3A_135 : memref<128x64xf32, #tpu.memory_space<hbm>>) dst(%dma_wait3A_132 : memref<128x64xf32, #tpu.memory_space<vmem>>)
    %add3A_136 = arith.constant 256 : i32
    %add3A_137 = arith.addi %mul3A_2, %add3A_136 : i32
    %dma_start3A_138 = arith.constant 2 : i32
    %dma_start3A_139 = arith.constant 0 : i32
    %dma_start3A_140 = arith.constant 0 : i32
    %dma_start3A_141 = tpu.memref_slice %arg6[%dma_start3A_138, %dma_start3A_139, %dma_start3A_140] : memref<8x128x64xf32, #tpu.memory_space<vmem>> -> memref<1x128x64xf32, #tpu.memory_space<vmem>>
    %dma_start3A_142 = tpu.memref_squeeze %dma_start3A_141 : memref<1x128x64xf32, #tpu.memory_space<vmem>> -> memref<128x64xf32, #tpu.memory_space<vmem>>
    %dma_start3A_143 = arith.constant 0 : i32
    %dma_start3A_144 = tpu.memref_slice %arg4[%add3A_137, %dma_start3A_143] : memref<819200x64xf32, #tpu.memory_space<hbm>> -> memref<128x64xf32, #tpu.memory_space<hbm>>
    %dma_start3A_145 = arith.constant 0 : i32
    %dma_start3A_146 = tpu.memref_slice %arg4[%add3A_137, %dma_start3A_145] : memref<819200x64xf32, #tpu.memory_space<hbm>> -> memref<128x64xf32, #tpu.memory_space<hbm>>
    %dma_start3A_147 = arith.constant 0 : i32
    %dma_start3A_148 = arith.constant 0 : i32
    %dma_start3A_149 = tpu.memref_slice %arg6[%dma_start3A_138, %dma_start3A_147, %dma_start3A_148] : memref<8x128x64xf32, #tpu.memory_space<vmem>> -> memref<1x128x64xf32, #tpu.memory_space<vmem>>
    %dma_start3A_150 = tpu.memref_squeeze %dma_start3A_149 : memref<1x128x64xf32, #tpu.memory_space<vmem>> -> memref<128x64xf32, #tpu.memory_space<vmem>>
    tpu.enqueue_dma source(%dma_start3A_150 : memref<128x64xf32, #tpu.memory_space<vmem>>) target(%dma_start3A_146 : memref<128x64xf32, #tpu.memory_space<hbm>>) target_semaphore(%arg8 : memref<!tpu.dma_semaphore, #tpu.memory_space<semaphore_mem>>)
    %dma_start3A_151 = arith.constant 6 : i32
    %dma_start3A_152 = arith.constant 0 : i32
    %dma_start3A_153 = arith.constant 0 : i32
    %dma_start3A_154 = tpu.memref_slice %arg6[%dma_start3A_151, %dma_start3A_152, %dma_start3A_153] : memref<8x128x64xf32, #tpu.memory_space<vmem>> -> memref<1x128x64xf32, #tpu.memory_space<vmem>>
    %dma_start3A_155 = tpu.memref_squeeze %dma_start3A_154 : memref<1x128x64xf32, #tpu.memory_space<vmem>> -> memref<128x64xf32, #tpu.memory_space<vmem>>
    %dma_start3A_156 = arith.constant 768 : i32
    %dma_start3A_157 = tpu.memref_slice %arg5[%dma_start3A_156] : memref<25600xi32, #tpu.memory_space<vmem>> -> memref<128xi32, #tpu.memory_space<vmem>>
    %dma_start3A_158 = arith.constant 0 : i32
    %dma_start3A_159 = arith.constant 0 : i32
    %dma_start3A_160 = tpu.memref_slice %arg3[%dma_start3A_158, %dma_start3A_159] : memref<1000000x64xf32, #tpu.memory_space<hbm>> -> memref<1000000x64xf32, #tpu.memory_space<hbm>>
    tpu.enqueue_indirect_dma source(%dma_start3A_160 : memref<1000000x64xf32, #tpu.memory_space<hbm>>) target(%dma_start3A_155 : memref<128x64xf32, #tpu.memory_space<vmem>>) offsets(%dma_start3A_157 : memref<128xi32, #tpu.memory_space<vmem>>) semaphore(%arg7 : memref<!tpu.dma_semaphore, #tpu.memory_space<semaphore_mem>>)
    %dma_wait3A_161 = arith.constant 3 : i32
    %dma_wait3A_162 = arith.constant 0 : i32
    %dma_wait3A_163 = arith.constant 0 : i32
    %dma_wait3A_164 = tpu.memref_slice %arg6[%dma_wait3A_161, %dma_wait3A_162, %dma_wait3A_163] : memref<8x128x64xf32, #tpu.memory_space<vmem>> -> memref<1x128x64xf32, #tpu.memory_space<vmem>>
    %dma_wait3A_165 = tpu.memref_squeeze %dma_wait3A_164 : memref<1x128x64xf32, #tpu.memory_space<vmem>> -> memref<128x64xf32, #tpu.memory_space<vmem>>
    %dma_wait3A_166 = arith.constant 0 : i32
    %dma_wait3A_167 = arith.constant 0 : i32
    %dma_wait3A_168 = tpu.memref_slice %arg3[%dma_wait3A_166, %dma_wait3A_167] : memref<1000000x64xf32, #tpu.memory_space<hbm>> -> memref<128x64xf32, #tpu.memory_space<hbm>>
    %dma_wait3A_169 = arith.constant 0 : i32
    %dma_wait3A_170 = arith.constant 0 : i32
    %dma_wait3A_171 = tpu.memref_slice %arg6[%dma_wait3A_161, %dma_wait3A_169, %dma_wait3A_170] : memref<8x128x64xf32, #tpu.memory_space<vmem>> -> memref<1x128x64xf32, #tpu.memory_space<vmem>>
    %dma_wait3A_172 = tpu.memref_squeeze %dma_wait3A_171 : memref<1x128x64xf32, #tpu.memory_space<vmem>> -> memref<128x64xf32, #tpu.memory_space<vmem>>
    %dma_wait3A_173 = arith.constant 0 : i32
    %dma_wait3A_174 = arith.constant 0 : i32
    %dma_wait3A_175 = tpu.memref_slice %arg3[%dma_wait3A_173, %dma_wait3A_174] : memref<1000000x64xf32, #tpu.memory_space<hbm>> -> memref<128x64xf32, #tpu.memory_space<hbm>>
    tpu.wait_dma2 semaphore(%arg7 : memref<!tpu.dma_semaphore, #tpu.memory_space<semaphore_mem>>) src(%dma_wait3A_175 : memref<128x64xf32, #tpu.memory_space<hbm>>) dst(%dma_wait3A_172 : memref<128x64xf32, #tpu.memory_space<vmem>>)
    %add3A_176 = arith.constant 384 : i32
    %add3A_177 = arith.addi %mul3A_2, %add3A_176 : i32
    %dma_start3A_178 = arith.constant 3 : i32
    %dma_start3A_179 = arith.constant 0 : i32
    %dma_start3A_180 = arith.constant 0 : i32
    %dma_start3A_181 = tpu.memref_slice %arg6[%dma_start3A_178, %dma_start3A_179, %dma_start3A_180] : memref<8x128x64xf32, #tpu.memory_space<vmem>> -> memref<1x128x64xf32, #tpu.memory_space<vmem>>
    %dma_start3A_182 = tpu.memref_squeeze %dma_start3A_181 : memref<1x128x64xf32, #tpu.memory_space<vmem>> -> memref<128x64xf32, #tpu.memory_space<vmem>>
    %dma_start3A_183 = arith.constant 0 : i32
    %dma_start3A_184 = tpu.memref_slice %arg4[%add3A_177, %dma_start3A_183] : memref<819200x64xf32, #tpu.memory_space<hbm>> -> memref<128x64xf32, #tpu.memory_space<hbm>>
    %dma_start3A_185 = arith.constant 0 : i32
    %dma_start3A_186 = tpu.memref_slice %arg4[%add3A_177, %dma_start3A_185] : memref<819200x64xf32, #tpu.memory_space<hbm>> -> memref<128x64xf32, #tpu.memory_space<hbm>>
    %dma_start3A_187 = arith.constant 0 : i32
    %dma_start3A_188 = arith.constant 0 : i32
    %dma_start3A_189 = tpu.memref_slice %arg6[%dma_start3A_178, %dma_start3A_187, %dma_start3A_188] : memref<8x128x64xf32, #tpu.memory_space<vmem>> -> memref<1x128x64xf32, #tpu.memory_space<vmem>>
    %dma_start3A_190 = tpu.memref_squeeze %dma_start3A_189 : memref<1x128x64xf32, #tpu.memory_space<vmem>> -> memref<128x64xf32, #tpu.memory_space<vmem>>
    tpu.enqueue_dma source(%dma_start3A_190 : memref<128x64xf32, #tpu.memory_space<vmem>>) target(%dma_start3A_186 : memref<128x64xf32, #tpu.memory_space<hbm>>) target_semaphore(%arg8 : memref<!tpu.dma_semaphore, #tpu.memory_space<semaphore_mem>>)
    %dma_start3A_191 = arith.constant 7 : i32
    %dma_start3A_192 = arith.constant 0 : i32
    %dma_start3A_193 = arith.constant 0 : i32
    %dma_start3A_194 = tpu.memref_slice %arg6[%dma_start3A_191, %dma_start3A_192, %dma_start3A_193] : memref<8x128x64xf32, #tpu.memory_space<vmem>> -> memref<1x128x64xf32, #tpu.memory_space<vmem>>
    %dma_start3A_195 = tpu.memref_squeeze %dma_start3A_194 : memref<1x128x64xf32, #tpu.memory_space<vmem>> -> memref<128x64xf32, #tpu.memory_space<vmem>>
    %dma_start3A_196 = arith.constant 896 : i32
    %dma_start3A_197 = tpu.memref_slice %arg5[%dma_start3A_196] : memref<25600xi32, #tpu.memory_space<vmem>> -> memref<128xi32, #tpu.memory_space<vmem>>
    %dma_start3A_198 = arith.constant 0 : i32
    %dma_start3A_199 = arith.constant 0 : i32
    %dma_start3A_200 = tpu.memref_slice %arg3[%dma_start3A_198, %dma_start3A_199] : memref<1000000x64xf32, #tpu.memory_space<hbm>> -> memref<1000000x64xf32, #tpu.memory_space<hbm>>
    tpu.enqueue_indirect_dma source(%dma_start3A_200 : memref<1000000x64xf32, #tpu.memory_space<hbm>>) target(%dma_start3A_195 : memref<128x64xf32, #tpu.memory_space<vmem>>) offsets(%dma_start3A_197 : memref<128xi32, #tpu.memory_space<vmem>>) semaphore(%arg7 : memref<!tpu.dma_semaphore, #tpu.memory_space<semaphore_mem>>)
    %scan3A = arith.constant 0 : i32
    %scan3A_201 = arith.constant 0 : i32
    %scan3A_202 = arith.constant 24 : i32
    %scan3A_203 = arith.addi %scan3A_201, %scan3A_202 : i32
    %scan3A_204 = arith.constant 1 : i32
    scf.for %scan3A_446 = %scan3A_201 to %scan3A_203 step %scan3A_204  : i32 {
      %mul3A_447 = arith.constant 8 : i32
      %mul3A_448 = arith.muli %scan3A_446, %mul3A_447 : i32
      %add3A_449 = arith.constant 4 : i32
      %add3A_450 = arith.addi %add3A_449, %mul3A_448 : i32
      %add3A_451 = arith.constant 0 : i32
      %add3A_452 = arith.addi %add3A_450, %add3A_451 : i32
      %dma_wait3A_453 = arith.constant 4 : i32
      %dma_wait3A_454 = arith.constant 0 : i32
      %dma_wait3A_455 = arith.constant 0 : i32
      %dma_wait3A_456 = tpu.memref_slice %arg6[%dma_wait3A_453, %dma_wait3A_454, %dma_wait3A_455] : memref<8x128x64xf32, #tpu.memory_space<vmem>> -> memref<1x128x64xf32, #tpu.memory_space<vmem>>
      %dma_wait3A_457 = tpu.memref_squeeze %dma_wait3A_456 : memref<1x128x64xf32, #tpu.memory_space<vmem>> -> memref<128x64xf32, #tpu.memory_space<vmem>>
      %dma_wait3A_458 = arith.constant 0 : i32
      %dma_wait3A_459 = arith.constant 0 : i32
      %dma_wait3A_460 = tpu.memref_slice %arg3[%dma_wait3A_458, %dma_wait3A_459] : memref<1000000x64xf32, #tpu.memory_space<hbm>> -> memref<128x64xf32, #tpu.memory_space<hbm>>
      %dma_wait3A_461 = arith.constant 0 : i32
      %dma_wait3A_462 = arith.constant 0 : i32
      %dma_wait3A_463 = tpu.memref_slice %arg6[%dma_wait3A_453, %dma_wait3A_461, %dma_wait3A_462] : memref<8x128x64xf32, #tpu.memory_space<vmem>> -> memref<1x128x64xf32, #tpu.memory_space<vmem>>
      %dma_wait3A_464 = tpu.memref_squeeze %dma_wait3A_463 : memref<1x128x64xf32, #tpu.memory_space<vmem>> -> memref<128x64xf32, #tpu.memory_space<vmem>>
      %dma_wait3A_465 = arith.constant 0 : i32
      %dma_wait3A_466 = arith.constant 0 : i32
      %dma_wait3A_467 = tpu.memref_slice %arg3[%dma_wait3A_465, %dma_wait3A_466] : memref<1000000x64xf32, #tpu.memory_space<hbm>> -> memref<128x64xf32, #tpu.memory_space<hbm>>
      tpu.wait_dma2 semaphore(%arg7 : memref<!tpu.dma_semaphore, #tpu.memory_space<semaphore_mem>>) src(%dma_wait3A_467 : memref<128x64xf32, #tpu.memory_space<hbm>>) dst(%dma_wait3A_464 : memref<128x64xf32, #tpu.memory_space<vmem>>)
      %mul3A_468 = arith.constant 128 : i32
      %mul3A_469 = arith.muli %add3A_452, %mul3A_468 : i32
      %add3A_470 = arith.addi %mul3A_2, %mul3A_469 : i32
      %dma_start3A_471 = arith.constant 4 : i32
      %dma_start3A_472 = arith.constant 0 : i32
      %dma_start3A_473 = arith.constant 0 : i32
      %dma_start3A_474 = tpu.memref_slice %arg6[%dma_start3A_471, %dma_start3A_472, %dma_start3A_473] : memref<8x128x64xf32, #tpu.memory_space<vmem>> -> memref<1x128x64xf32, #tpu.memory_space<vmem>>
      %dma_start3A_475 = tpu.memref_squeeze %dma_start3A_474 : memref<1x128x64xf32, #tpu.memory_space<vmem>> -> memref<128x64xf32, #tpu.memory_space<vmem>>
      %dma_start3A_476 = arith.constant 0 : i32
      %dma_start3A_477 = tpu.memref_slice %arg4[%add3A_470, %dma_start3A_476] : memref<819200x64xf32, #tpu.memory_space<hbm>> -> memref<128x64xf32, #tpu.memory_space<hbm>>
      %dma_start3A_478 = arith.constant 0 : i32
      %dma_start3A_479 = tpu.memref_slice %arg4[%add3A_470, %dma_start3A_478] : memref<819200x64xf32, #tpu.memory_space<hbm>> -> memref<128x64xf32, #tpu.memory_space<hbm>>
      %dma_start3A_480 = arith.constant 0 : i32
      %dma_start3A_481 = arith.constant 0 : i32
      %dma_start3A_482 = tpu.memref_slice %arg6[%dma_start3A_471, %dma_start3A_480, %dma_start3A_481] : memref<8x128x64xf32, #tpu.memory_space<vmem>> -> memref<1x128x64xf32, #tpu.memory_space<vmem>>
      %dma_start3A_483 = tpu.memref_squeeze %dma_start3A_482 : memref<1x128x64xf32, #tpu.memory_space<vmem>> -> memref<128x64xf32, #tpu.memory_space<vmem>>
      tpu.enqueue_dma source(%dma_start3A_483 : memref<128x64xf32, #tpu.memory_space<vmem>>) target(%dma_start3A_479 : memref<128x64xf32, #tpu.memory_space<hbm>>) target_semaphore(%arg8 : memref<!tpu.dma_semaphore, #tpu.memory_space<semaphore_mem>>)
      %dma_wait3A_484 = arith.constant 0 : i32
      %dma_wait3A_485 = arith.constant 0 : i32
      %dma_wait3A_486 = arith.constant 0 : i32
      %dma_wait3A_487 = tpu.memref_slice %arg6[%dma_wait3A_484, %dma_wait3A_485, %dma_wait3A_486] : memref<8x128x64xf32, #tpu.memory_space<vmem>> -> memref<1x128x64xf32, #tpu.memory_space<vmem>>
      %dma_wait3A_488 = tpu.memref_squeeze %dma_wait3A_487 : memref<1x128x64xf32, #tpu.memory_space<vmem>> -> memref<128x64xf32, #tpu.memory_space<vmem>>
      %dma_wait3A_489 = arith.constant 0 : i32
      %dma_wait3A_490 = arith.constant 0 : i32
      %dma_wait3A_491 = tpu.memref_slice %arg4[%dma_wait3A_489, %dma_wait3A_490] : memref<819200x64xf32, #tpu.memory_space<hbm>> -> memref<128x64xf32, #tpu.memory_space<hbm>>
      %dma_wait3A_492 = arith.constant 0 : i32
      %dma_wait3A_493 = arith.constant 0 : i32
      %dma_wait3A_494 = tpu.memref_slice %arg4[%dma_wait3A_492, %dma_wait3A_493] : memref<819200x64xf32, #tpu.memory_space<hbm>> -> memref<128x64xf32, #tpu.memory_space<hbm>>
      %dma_wait3A_495 = arith.constant 0 : i32
      %dma_wait3A_496 = arith.constant 0 : i32
      %dma_wait3A_497 = tpu.memref_slice %arg6[%dma_wait3A_484, %dma_wait3A_495, %dma_wait3A_496] : memref<8x128x64xf32, #tpu.memory_space<vmem>> -> memref<1x128x64xf32, #tpu.memory_space<vmem>>
      %dma_wait3A_498 = tpu.memref_squeeze %dma_wait3A_497 : memref<1x128x64xf32, #tpu.memory_space<vmem>> -> memref<128x64xf32, #tpu.memory_space<vmem>>
      tpu.wait_dma2 semaphore(%arg8 : memref<!tpu.dma_semaphore, #tpu.memory_space<semaphore_mem>>) src(%dma_wait3A_498 : memref<128x64xf32, #tpu.memory_space<vmem>>) dst(%dma_wait3A_494 : memref<128x64xf32, #tpu.memory_space<hbm>>)
      %add3A_499 = arith.constant 4 : i32
      %add3A_500 = arith.addi %add3A_452, %add3A_499 : i32
      %mul3A_501 = arith.constant 128 : i32
      %mul3A_502 = arith.muli %add3A_500, %mul3A_501 : i32
      %add3A_503 = arith.constant 0 : i32
      %add3A_504 = arith.addi %mul3A_502, %add3A_503 : i32
      %dma_start3A_505 = arith.constant 0 : i32
      %dma_start3A_506 = arith.constant 0 : i32
      %dma_start3A_507 = arith.constant 0 : i32
      %dma_start3A_508 = tpu.memref_slice %arg6[%dma_start3A_505, %dma_start3A_506, %dma_start3A_507] : memref<8x128x64xf32, #tpu.memory_space<vmem>> -> memref<1x128x64xf32, #tpu.memory_space<vmem>>
      %dma_start3A_509 = tpu.memref_squeeze %dma_start3A_508 : memref<1x128x64xf32, #tpu.memory_space<vmem>> -> memref<128x64xf32, #tpu.memory_space<vmem>>
      %dma_start3A_510 = tpu.memref_slice %arg5[%add3A_504] : memref<25600xi32, #tpu.memory_space<vmem>> -> memref<128xi32, #tpu.memory_space<vmem>>
      %dma_start3A_511 = arith.constant 0 : i32
      %dma_start3A_512 = arith.constant 0 : i32
      %dma_start3A_513 = tpu.memref_slice %arg3[%dma_start3A_511, %dma_start3A_512] : memref<1000000x64xf32, #tpu.memory_space<hbm>> -> memref<1000000x64xf32, #tpu.memory_space<hbm>>
      tpu.enqueue_indirect_dma source(%dma_start3A_513 : memref<1000000x64xf32, #tpu.memory_space<hbm>>) target(%dma_start3A_509 : memref<128x64xf32, #tpu.memory_space<vmem>>) offsets(%dma_start3A_510 : memref<128xi32, #tpu.memory_space<vmem>>) semaphore(%arg7 : memref<!tpu.dma_semaphore, #tpu.memory_space<semaphore_mem>>)
      %add3A_514 = arith.constant 1 : i32
      %add3A_515 = arith.addi %add3A_450, %add3A_514 : i32
      %dma_wait3A_516 = arith.constant 5 : i32
      %dma_wait3A_517 = arith.constant 0 : i32
      %dma_wait3A_518 = arith.constant 0 : i32
      %dma_wait3A_519 = tpu.memref_slice %arg6[%dma_wait3A_516, %dma_wait3A_517, %dma_wait3A_518] : memref<8x128x64xf32, #tpu.memory_space<vmem>> -> memref<1x128x64xf32, #tpu.memory_space<vmem>>
      %dma_wait3A_520 = tpu.memref_squeeze %dma_wait3A_519 : memref<1x128x64xf32, #tpu.memory_space<vmem>> -> memref<128x64xf32, #tpu.memory_space<vmem>>
      %dma_wait3A_521 = arith.constant 0 : i32
      %dma_wait3A_522 = arith.constant 0 : i32
      %dma_wait3A_523 = tpu.memref_slice %arg3[%dma_wait3A_521, %dma_wait3A_522] : memref<1000000x64xf32, #tpu.memory_space<hbm>> -> memref<128x64xf32, #tpu.memory_space<hbm>>
      %dma_wait3A_524 = arith.constant 0 : i32
      %dma_wait3A_525 = arith.constant 0 : i32
      %dma_wait3A_526 = tpu.memref_slice %arg6[%dma_wait3A_516, %dma_wait3A_524, %dma_wait3A_525] : memref<8x128x64xf32, #tpu.memory_space<vmem>> -> memref<1x128x64xf32, #tpu.memory_space<vmem>>
      %dma_wait3A_527 = tpu.memref_squeeze %dma_wait3A_526 : memref<1x128x64xf32, #tpu.memory_space<vmem>> -> memref<128x64xf32, #tpu.memory_space<vmem>>
      %dma_wait3A_528 = arith.constant 0 : i32
      %dma_wait3A_529 = arith.constant 0 : i32
      %dma_wait3A_530 = tpu.memref_slice %arg3[%dma_wait3A_528, %dma_wait3A_529] : memref<1000000x64xf32, #tpu.memory_space<hbm>> -> memref<128x64xf32, #tpu.memory_space<hbm>>
      tpu.wait_dma2 semaphore(%arg7 : memref<!tpu.dma_semaphore, #tpu.memory_space<semaphore_mem>>) src(%dma_wait3A_530 : memref<128x64xf32, #tpu.memory_space<hbm>>) dst(%dma_wait3A_527 : memref<128x64xf32, #tpu.memory_space<vmem>>)
      %mul3A_531 = arith.constant 128 : i32
      %mul3A_532 = arith.muli %add3A_515, %mul3A_531 : i32
      %add3A_533 = arith.addi %mul3A_2, %mul3A_532 : i32
      %dma_start3A_534 = arith.constant 5 : i32
      %dma_start3A_535 = arith.constant 0 : i32
      %dma_start3A_536 = arith.constant 0 : i32
      %dma_start3A_537 = tpu.memref_slice %arg6[%dma_start3A_534, %dma_start3A_535, %dma_start3A_536] : memref<8x128x64xf32, #tpu.memory_space<vmem>> -> memref<1x128x64xf32, #tpu.memory_space<vmem>>
      %dma_start3A_538 = tpu.memref_squeeze %dma_start3A_537 : memref<1x128x64xf32, #tpu.memory_space<vmem>> -> memref<128x64xf32, #tpu.memory_space<vmem>>
      %dma_start3A_539 = arith.constant 0 : i32
      %dma_start3A_540 = tpu.memref_slice %arg4[%add3A_533, %dma_start3A_539] : memref<819200x64xf32, #tpu.memory_space<hbm>> -> memref<128x64xf32, #tpu.memory_space<hbm>>
      %dma_start3A_541 = arith.constant 0 : i32
      %dma_start3A_542 = tpu.memref_slice %arg4[%add3A_533, %dma_start3A_541] : memref<819200x64xf32, #tpu.memory_space<hbm>> -> memref<128x64xf32, #tpu.memory_space<hbm>>
      %dma_start3A_543 = arith.constant 0 : i32
      %dma_start3A_544 = arith.constant 0 : i32
      %dma_start3A_545 = tpu.memref_slice %arg6[%dma_start3A_534, %dma_start3A_543, %dma_start3A_544] : memref<8x128x64xf32, #tpu.memory_space<vmem>> -> memref<1x128x64xf32, #tpu.memory_space<vmem>>
      %dma_start3A_546 = tpu.memref_squeeze %dma_start3A_545 : memref<1x128x64xf32, #tpu.memory_space<vmem>> -> memref<128x64xf32, #tpu.memory_space<vmem>>
      tpu.enqueue_dma source(%dma_start3A_546 : memref<128x64xf32, #tpu.memory_space<vmem>>) target(%dma_start3A_542 : memref<128x64xf32, #tpu.memory_space<hbm>>) target_semaphore(%arg8 : memref<!tpu.dma_semaphore, #tpu.memory_space<semaphore_mem>>)
      %dma_wait3A_547 = arith.constant 1 : i32
      %dma_wait3A_548 = arith.constant 0 : i32
      %dma_wait3A_549 = arith.constant 0 : i32
      %dma_wait3A_550 = tpu.memref_slice %arg6[%dma_wait3A_547, %dma_wait3A_548, %dma_wait3A_549] : memref<8x128x64xf32, #tpu.memory_space<vmem>> -> memref<1x128x64xf32, #tpu.memory_space<vmem>>
      %dma_wait3A_551 = tpu.memref_squeeze %dma_wait3A_550 : memref<1x128x64xf32, #tpu.memory_space<vmem>> -> memref<128x64xf32, #tpu.memory_space<vmem>>
      %dma_wait3A_552 = arith.constant 0 : i32
      %dma_wait3A_553 = arith.constant 0 : i32
      %dma_wait3A_554 = tpu.memref_slice %arg4[%dma_wait3A_552, %dma_wait3A_553] : memref<819200x64xf32, #tpu.memory_space<hbm>> -> memref<128x64xf32, #tpu.memory_space<hbm>>
      %dma_wait3A_555 = arith.constant 0 : i32
      %dma_wait3A_556 = arith.constant 0 : i32
      %dma_wait3A_557 = tpu.memref_slice %arg4[%dma_wait3A_555, %dma_wait3A_556] : memref<819200x64xf32, #tpu.memory_space<hbm>> -> memref<128x64xf32, #tpu.memory_space<hbm>>
      %dma_wait3A_558 = arith.constant 0 : i32
      %dma_wait3A_559 = arith.constant 0 : i32
      %dma_wait3A_560 = tpu.memref_slice %arg6[%dma_wait3A_547, %dma_wait3A_558, %dma_wait3A_559] : memref<8x128x64xf32, #tpu.memory_space<vmem>> -> memref<1x128x64xf32, #tpu.memory_space<vmem>>
      %dma_wait3A_561 = tpu.memref_squeeze %dma_wait3A_560 : memref<1x128x64xf32, #tpu.memory_space<vmem>> -> memref<128x64xf32, #tpu.memory_space<vmem>>
      tpu.wait_dma2 semaphore(%arg8 : memref<!tpu.dma_semaphore, #tpu.memory_space<semaphore_mem>>) src(%dma_wait3A_561 : memref<128x64xf32, #tpu.memory_space<vmem>>) dst(%dma_wait3A_557 : memref<128x64xf32, #tpu.memory_space<hbm>>)
      %add3A_562 = arith.constant 4 : i32
      %add3A_563 = arith.addi %add3A_515, %add3A_562 : i32
      %mul3A_564 = arith.constant 128 : i32
      %mul3A_565 = arith.muli %add3A_563, %mul3A_564 : i32
      %add3A_566 = arith.constant 0 : i32
      %add3A_567 = arith.addi %mul3A_565, %add3A_566 : i32
      %dma_start3A_568 = arith.constant 1 : i32
      %dma_start3A_569 = arith.constant 0 : i32
      %dma_start3A_570 = arith.constant 0 : i32
      %dma_start3A_571 = tpu.memref_slice %arg6[%dma_start3A_568, %dma_start3A_569, %dma_start3A_570] : memref<8x128x64xf32, #tpu.memory_space<vmem>> -> memref<1x128x64xf32, #tpu.memory_space<vmem>>
      %dma_start3A_572 = tpu.memref_squeeze %dma_start3A_571 : memref<1x128x64xf32, #tpu.memory_space<vmem>> -> memref<128x64xf32, #tpu.memory_space<vmem>>
      %dma_start3A_573 = tpu.memref_slice %arg5[%add3A_567] : memref<25600xi32, #tpu.memory_space<vmem>> -> memref<128xi32, #tpu.memory_space<vmem>>
      %dma_start3A_574 = arith.constant 0 : i32
      %dma_start3A_575 = arith.constant 0 : i32
      %dma_start3A_576 = tpu.memref_slice %arg3[%dma_start3A_574, %dma_start3A_575] : memref<1000000x64xf32, #tpu.memory_space<hbm>> -> memref<1000000x64xf32, #tpu.memory_space<hbm>>
      tpu.enqueue_indirect_dma source(%dma_start3A_576 : memref<1000000x64xf32, #tpu.memory_space<hbm>>) target(%dma_start3A_572 : memref<128x64xf32, #tpu.memory_space<vmem>>) offsets(%dma_start3A_573 : memref<128xi32, #tpu.memory_space<vmem>>) semaphore(%arg7 : memref<!tpu.dma_semaphore, #tpu.memory_space<semaphore_mem>>)
      %add3A_577 = arith.constant 2 : i32
      %add3A_578 = arith.addi %add3A_450, %add3A_577 : i32
      %dma_wait3A_579 = arith.constant 6 : i32
      %dma_wait3A_580 = arith.constant 0 : i32
      %dma_wait3A_581 = arith.constant 0 : i32
      %dma_wait3A_582 = tpu.memref_slice %arg6[%dma_wait3A_579, %dma_wait3A_580, %dma_wait3A_581] : memref<8x128x64xf32, #tpu.memory_space<vmem>> -> memref<1x128x64xf32, #tpu.memory_space<vmem>>
      %dma_wait3A_583 = tpu.memref_squeeze %dma_wait3A_582 : memref<1x128x64xf32, #tpu.memory_space<vmem>> -> memref<128x64xf32, #tpu.memory_space<vmem>>
      %dma_wait3A_584 = arith.constant 0 : i32
      %dma_wait3A_585 = arith.constant 0 : i32
      %dma_wait3A_586 = tpu.memref_slice %arg3[%dma_wait3A_584, %dma_wait3A_585] : memref<1000000x64xf32, #tpu.memory_space<hbm>> -> memref<128x64xf32, #tpu.memory_space<hbm>>
      %dma_wait3A_587 = arith.constant 0 : i32
      %dma_wait3A_588 = arith.constant 0 : i32
      %dma_wait3A_589 = tpu.memref_slice %arg6[%dma_wait3A_579, %dma_wait3A_587, %dma_wait3A_588] : memref<8x128x64xf32, #tpu.memory_space<vmem>> -> memref<1x128x64xf32, #tpu.memory_space<vmem>>
      %dma_wait3A_590 = tpu.memref_squeeze %dma_wait3A_589 : memref<1x128x64xf32, #tpu.memory_space<vmem>> -> memref<128x64xf32, #tpu.memory_space<vmem>>
      %dma_wait3A_591 = arith.constant 0 : i32
      %dma_wait3A_592 = arith.constant 0 : i32
      %dma_wait3A_593 = tpu.memref_slice %arg3[%dma_wait3A_591, %dma_wait3A_592] : memref<1000000x64xf32, #tpu.memory_space<hbm>> -> memref<128x64xf32, #tpu.memory_space<hbm>>
      tpu.wait_dma2 semaphore(%arg7 : memref<!tpu.dma_semaphore, #tpu.memory_space<semaphore_mem>>) src(%dma_wait3A_593 : memref<128x64xf32, #tpu.memory_space<hbm>>) dst(%dma_wait3A_590 : memref<128x64xf32, #tpu.memory_space<vmem>>)
      %mul3A_594 = arith.constant 128 : i32
      %mul3A_595 = arith.muli %add3A_578, %mul3A_594 : i32
      %add3A_596 = arith.addi %mul3A_2, %mul3A_595 : i32
      %dma_start3A_597 = arith.constant 6 : i32
      %dma_start3A_598 = arith.constant 0 : i32
      %dma_start3A_599 = arith.constant 0 : i32
      %dma_start3A_600 = tpu.memref_slice %arg6[%dma_start3A_597, %dma_start3A_598, %dma_start3A_599] : memref<8x128x64xf32, #tpu.memory_space<vmem>> -> memref<1x128x64xf32, #tpu.memory_space<vmem>>
      %dma_start3A_601 = tpu.memref_squeeze %dma_start3A_600 : memref<1x128x64xf32, #tpu.memory_space<vmem>> -> memref<128x64xf32, #tpu.memory_space<vmem>>
      %dma_start3A_602 = arith.constant 0 : i32
      %dma_start3A_603 = tpu.memref_slice %arg4[%add3A_596, %dma_start3A_602] : memref<819200x64xf32, #tpu.memory_space<hbm>> -> memref<128x64xf32, #tpu.memory_space<hbm>>
      %dma_start3A_604 = arith.constant 0 : i32
      %dma_start3A_605 = tpu.memref_slice %arg4[%add3A_596, %dma_start3A_604] : memref<819200x64xf32, #tpu.memory_space<hbm>> -> memref<128x64xf32, #tpu.memory_space<hbm>>
      %dma_start3A_606 = arith.constant 0 : i32
      %dma_start3A_607 = arith.constant 0 : i32
      %dma_start3A_608 = tpu.memref_slice %arg6[%dma_start3A_597, %dma_start3A_606, %dma_start3A_607] : memref<8x128x64xf32, #tpu.memory_space<vmem>> -> memref<1x128x64xf32, #tpu.memory_space<vmem>>
      %dma_start3A_609 = tpu.memref_squeeze %dma_start3A_608 : memref<1x128x64xf32, #tpu.memory_space<vmem>> -> memref<128x64xf32, #tpu.memory_space<vmem>>
      tpu.enqueue_dma source(%dma_start3A_609 : memref<128x64xf32, #tpu.memory_space<vmem>>) target(%dma_start3A_605 : memref<128x64xf32, #tpu.memory_space<hbm>>) target_semaphore(%arg8 : memref<!tpu.dma_semaphore, #tpu.memory_space<semaphore_mem>>)
      %dma_wait3A_610 = arith.constant 2 : i32
      %dma_wait3A_611 = arith.constant 0 : i32
      %dma_wait3A_612 = arith.constant 0 : i32
      %dma_wait3A_613 = tpu.memref_slice %arg6[%dma_wait3A_610, %dma_wait3A_611, %dma_wait3A_612] : memref<8x128x64xf32, #tpu.memory_space<vmem>> -> memref<1x128x64xf32, #tpu.memory_space<vmem>>
      %dma_wait3A_614 = tpu.memref_squeeze %dma_wait3A_613 : memref<1x128x64xf32, #tpu.memory_space<vmem>> -> memref<128x64xf32, #tpu.memory_space<vmem>>
      %dma_wait3A_615 = arith.constant 0 : i32
      %dma_wait3A_616 = arith.constant 0 : i32
      %dma_wait3A_617 = tpu.memref_slice %arg4[%dma_wait3A_615, %dma_wait3A_616] : memref<819200x64xf32, #tpu.memory_space<hbm>> -> memref<128x64xf32, #tpu.memory_space<hbm>>
      %dma_wait3A_618 = arith.constant 0 : i32
      %dma_wait3A_619 = arith.constant 0 : i32
      %dma_wait3A_620 = tpu.memref_slice %arg4[%dma_wait3A_618, %dma_wait3A_619] : memref<819200x64xf32, #tpu.memory_space<hbm>> -> memref<128x64xf32, #tpu.memory_space<hbm>>
      %dma_wait3A_621 = arith.constant 0 : i32
      %dma_wait3A_622 = arith.constant 0 : i32
      %dma_wait3A_623 = tpu.memref_slice %arg6[%dma_wait3A_610, %dma_wait3A_621, %dma_wait3A_622] : memref<8x128x64xf32, #tpu.memory_space<vmem>> -> memref<1x128x64xf32, #tpu.memory_space<vmem>>
      %dma_wait3A_624 = tpu.memref_squeeze %dma_wait3A_623 : memref<1x128x64xf32, #tpu.memory_space<vmem>> -> memref<128x64xf32, #tpu.memory_space<vmem>>
      tpu.wait_dma2 semaphore(%arg8 : memref<!tpu.dma_semaphore, #tpu.memory_space<semaphore_mem>>) src(%dma_wait3A_624 : memref<128x64xf32, #tpu.memory_space<vmem>>) dst(%dma_wait3A_620 : memref<128x64xf32, #tpu.memory_space<hbm>>)
      %add3A_625 = arith.constant 4 : i32
      %add3A_626 = arith.addi %add3A_578, %add3A_625 : i32
      %mul3A_627 = arith.constant 128 : i32
      %mul3A_628 = arith.muli %add3A_626, %mul3A_627 : i32
      %add3A_629 = arith.constant 0 : i32
      %add3A_630 = arith.addi %mul3A_628, %add3A_629 : i32
      %dma_start3A_631 = arith.constant 2 : i32
      %dma_start3A_632 = arith.constant 0 : i32
      %dma_start3A_633 = arith.constant 0 : i32
      %dma_start3A_634 = tpu.memref_slice %arg6[%dma_start3A_631, %dma_start3A_632, %dma_start3A_633] : memref<8x128x64xf32, #tpu.memory_space<vmem>> -> memref<1x128x64xf32, #tpu.memory_space<vmem>>
      %dma_start3A_635 = tpu.memref_squeeze %dma_start3A_634 : memref<1x128x64xf32, #tpu.memory_space<vmem>> -> memref<128x64xf32, #tpu.memory_space<vmem>>
      %dma_start3A_636 = tpu.memref_slice %arg5[%add3A_630] : memref<25600xi32, #tpu.memory_space<vmem>> -> memref<128xi32, #tpu.memory_space<vmem>>
      %dma_start3A_637 = arith.constant 0 : i32
      %dma_start3A_638 = arith.constant 0 : i32
      %dma_start3A_639 = tpu.memref_slice %arg3[%dma_start3A_637, %dma_start3A_638] : memref<1000000x64xf32, #tpu.memory_space<hbm>> -> memref<1000000x64xf32, #tpu.memory_space<hbm>>
      tpu.enqueue_indirect_dma source(%dma_start3A_639 : memref<1000000x64xf32, #tpu.memory_space<hbm>>) target(%dma_start3A_635 : memref<128x64xf32, #tpu.memory_space<vmem>>) offsets(%dma_start3A_636 : memref<128xi32, #tpu.memory_space<vmem>>) semaphore(%arg7 : memref<!tpu.dma_semaphore, #tpu.memory_space<semaphore_mem>>)
      %add3A_640 = arith.constant 3 : i32
      %add3A_641 = arith.addi %add3A_450, %add3A_640 : i32
      %dma_wait3A_642 = arith.constant 7 : i32
      %dma_wait3A_643 = arith.constant 0 : i32
      %dma_wait3A_644 = arith.constant 0 : i32
      %dma_wait3A_645 = tpu.memref_slice %arg6[%dma_wait3A_642, %dma_wait3A_643, %dma_wait3A_644] : memref<8x128x64xf32, #tpu.memory_space<vmem>> -> memref<1x128x64xf32, #tpu.memory_space<vmem>>
      %dma_wait3A_646 = tpu.memref_squeeze %dma_wait3A_645 : memref<1x128x64xf32, #tpu.memory_space<vmem>> -> memref<128x64xf32, #tpu.memory_space<vmem>>
      %dma_wait3A_647 = arith.constant 0 : i32
      %dma_wait3A_648 = arith.constant 0 : i32
      %dma_wait3A_649 = tpu.memref_slice %arg3[%dma_wait3A_647, %dma_wait3A_648] : memref<1000000x64xf32, #tpu.memory_space<hbm>> -> memref<128x64xf32, #tpu.memory_space<hbm>>
      %dma_wait3A_650 = arith.constant 0 : i32
      %dma_wait3A_651 = arith.constant 0 : i32
      %dma_wait3A_652 = tpu.memref_slice %arg6[%dma_wait3A_642, %dma_wait3A_650, %dma_wait3A_651] : memref<8x128x64xf32, #tpu.memory_space<vmem>> -> memref<1x128x64xf32, #tpu.memory_space<vmem>>
      %dma_wait3A_653 = tpu.memref_squeeze %dma_wait3A_652 : memref<1x128x64xf32, #tpu.memory_space<vmem>> -> memref<128x64xf32, #tpu.memory_space<vmem>>
      %dma_wait3A_654 = arith.constant 0 : i32
      %dma_wait3A_655 = arith.constant 0 : i32
      %dma_wait3A_656 = tpu.memref_slice %arg3[%dma_wait3A_654, %dma_wait3A_655] : memref<1000000x64xf32, #tpu.memory_space<hbm>> -> memref<128x64xf32, #tpu.memory_space<hbm>>
      tpu.wait_dma2 semaphore(%arg7 : memref<!tpu.dma_semaphore, #tpu.memory_space<semaphore_mem>>) src(%dma_wait3A_656 : memref<128x64xf32, #tpu.memory_space<hbm>>) dst(%dma_wait3A_653 : memref<128x64xf32, #tpu.memory_space<vmem>>)
      %mul3A_657 = arith.constant 128 : i32
      %mul3A_658 = arith.muli %add3A_641, %mul3A_657 : i32
      %add3A_659 = arith.addi %mul3A_2, %mul3A_658 : i32
      %dma_start3A_660 = arith.constant 7 : i32
      %dma_start3A_661 = arith.constant 0 : i32
      %dma_start3A_662 = arith.constant 0 : i32
      %dma_start3A_663 = tpu.memref_slice %arg6[%dma_start3A_660, %dma_start3A_661, %dma_start3A_662] : memref<8x128x64xf32, #tpu.memory_space<vmem>> -> memref<1x128x64xf32, #tpu.memory_space<vmem>>
      %dma_start3A_664 = tpu.memref_squeeze %dma_start3A_663 : memref<1x128x64xf32, #tpu.memory_space<vmem>> -> memref<128x64xf32, #tpu.memory_space<vmem>>
      %dma_start3A_665 = arith.constant 0 : i32
      %dma_start3A_666 = tpu.memref_slice %arg4[%add3A_659, %dma_start3A_665] : memref<819200x64xf32, #tpu.memory_space<hbm>> -> memref<128x64xf32, #tpu.memory_space<hbm>>
      %dma_start3A_667 = arith.constant 0 : i32
      %dma_start3A_668 = tpu.memref_slice %arg4[%add3A_659, %dma_start3A_667] : memref<819200x64xf32, #tpu.memory_space<hbm>> -> memref<128x64xf32, #tpu.memory_space<hbm>>
      %dma_start3A_669 = arith.constant 0 : i32
      %dma_start3A_670 = arith.constant 0 : i32
      %dma_start3A_671 = tpu.memref_slice %arg6[%dma_start3A_660, %dma_start3A_669, %dma_start3A_670] : memref<8x128x64xf32, #tpu.memory_space<vmem>> -> memref<1x128x64xf32, #tpu.memory_space<vmem>>
      %dma_start3A_672 = tpu.memref_squeeze %dma_start3A_671 : memref<1x128x64xf32, #tpu.memory_space<vmem>> -> memref<128x64xf32, #tpu.memory_space<vmem>>
      tpu.enqueue_dma source(%dma_start3A_672 : memref<128x64xf32, #tpu.memory_space<vmem>>) target(%dma_start3A_668 : memref<128x64xf32, #tpu.memory_space<hbm>>) target_semaphore(%arg8 : memref<!tpu.dma_semaphore, #tpu.memory_space<semaphore_mem>>)
      %dma_wait3A_673 = arith.constant 3 : i32
      %dma_wait3A_674 = arith.constant 0 : i32
      %dma_wait3A_675 = arith.constant 0 : i32
      %dma_wait3A_676 = tpu.memref_slice %arg6[%dma_wait3A_673, %dma_wait3A_674, %dma_wait3A_675] : memref<8x128x64xf32, #tpu.memory_space<vmem>> -> memref<1x128x64xf32, #tpu.memory_space<vmem>>
      %dma_wait3A_677 = tpu.memref_squeeze %dma_wait3A_676 : memref<1x128x64xf32, #tpu.memory_space<vmem>> -> memref<128x64xf32, #tpu.memory_space<vmem>>
      %dma_wait3A_678 = arith.constant 0 : i32
      %dma_wait3A_679 = arith.constant 0 : i32
      %dma_wait3A_680 = tpu.memref_slice %arg4[%dma_wait3A_678, %dma_wait3A_679] : memref<819200x64xf32, #tpu.memory_space<hbm>> -> memref<128x64xf32, #tpu.memory_space<hbm>>
      %dma_wait3A_681 = arith.constant 0 : i32
      %dma_wait3A_682 = arith.constant 0 : i32
      %dma_wait3A_683 = tpu.memref_slice %arg4[%dma_wait3A_681, %dma_wait3A_682] : memref<819200x64xf32, #tpu.memory_space<hbm>> -> memref<128x64xf32, #tpu.memory_space<hbm>>
      %dma_wait3A_684 = arith.constant 0 : i32
      %dma_wait3A_685 = arith.constant 0 : i32
      %dma_wait3A_686 = tpu.memref_slice %arg6[%dma_wait3A_673, %dma_wait3A_684, %dma_wait3A_685] : memref<8x128x64xf32, #tpu.memory_space<vmem>> -> memref<1x128x64xf32, #tpu.memory_space<vmem>>
      %dma_wait3A_687 = tpu.memref_squeeze %dma_wait3A_686 : memref<1x128x64xf32, #tpu.memory_space<vmem>> -> memref<128x64xf32, #tpu.memory_space<vmem>>
      tpu.wait_dma2 semaphore(%arg8 : memref<!tpu.dma_semaphore, #tpu.memory_space<semaphore_mem>>) src(%dma_wait3A_687 : memref<128x64xf32, #tpu.memory_space<vmem>>) dst(%dma_wait3A_683 : memref<128x64xf32, #tpu.memory_space<hbm>>)
      %add3A_688 = arith.constant 4 : i32
      %add3A_689 = arith.addi %add3A_641, %add3A_688 : i32
      %mul3A_690 = arith.constant 128 : i32
      %mul3A_691 = arith.muli %add3A_689, %mul3A_690 : i32
      %add3A_692 = arith.constant 0 : i32
      %add3A_693 = arith.addi %mul3A_691, %add3A_692 : i32
      %dma_start3A_694 = arith.constant 3 : i32
      %dma_start3A_695 = arith.constant 0 : i32
      %dma_start3A_696 = arith.constant 0 : i32
      %dma_start3A_697 = tpu.memref_slice %arg6[%dma_start3A_694, %dma_start3A_695, %dma_start3A_696] : memref<8x128x64xf32, #tpu.memory_space<vmem>> -> memref<1x128x64xf32, #tpu.memory_space<vmem>>
      %dma_start3A_698 = tpu.memref_squeeze %dma_start3A_697 : memref<1x128x64xf32, #tpu.memory_space<vmem>> -> memref<128x64xf32, #tpu.memory_space<vmem>>
      %dma_start3A_699 = tpu.memref_slice %arg5[%add3A_693] : memref<25600xi32, #tpu.memory_space<vmem>> -> memref<128xi32, #tpu.memory_space<vmem>>
      %dma_start3A_700 = arith.constant 0 : i32
      %dma_start3A_701 = arith.constant 0 : i32
      %dma_start3A_702 = tpu.memref_slice %arg3[%dma_start3A_700, %dma_start3A_701] : memref<1000000x64xf32, #tpu.memory_space<hbm>> -> memref<1000000x64xf32, #tpu.memory_space<hbm>>
      tpu.enqueue_indirect_dma source(%dma_start3A_702 : memref<1000000x64xf32, #tpu.memory_space<hbm>>) target(%dma_start3A_698 : memref<128x64xf32, #tpu.memory_space<vmem>>) offsets(%dma_start3A_699 : memref<128xi32, #tpu.memory_space<vmem>>) semaphore(%arg7 : memref<!tpu.dma_semaphore, #tpu.memory_space<semaphore_mem>>)
      %add3A_703 = arith.constant 4 : i32
      %add3A_704 = arith.addi %add3A_450, %add3A_703 : i32
      %dma_wait3A_705 = arith.constant 0 : i32
      %dma_wait3A_706 = arith.constant 0 : i32
      %dma_wait3A_707 = arith.constant 0 : i32
      %dma_wait3A_708 = tpu.memref_slice %arg6[%dma_wait3A_705, %dma_wait3A_706, %dma_wait3A_707] : memref<8x128x64xf32, #tpu.memory_space<vmem>> -> memref<1x128x64xf32, #tpu.memory_space<vmem>>
      %dma_wait3A_709 = tpu.memref_squeeze %dma_wait3A_708 : memref<1x128x64xf32, #tpu.memory_space<vmem>> -> memref<128x64xf32, #tpu.memory_space<vmem>>
      %dma_wait3A_710 = arith.constant 0 : i32
      %dma_wait3A_711 = arith.constant 0 : i32
      %dma_wait3A_712 = tpu.memref_slice %arg3[%dma_wait3A_710, %dma_wait3A_711] : memref<1000000x64xf32, #tpu.memory_space<hbm>> -> memref<128x64xf32, #tpu.memory_space<hbm>>
      %dma_wait3A_713 = arith.constant 0 : i32
      %dma_wait3A_714 = arith.constant 0 : i32
      %dma_wait3A_715 = tpu.memref_slice %arg6[%dma_wait3A_705, %dma_wait3A_713, %dma_wait3A_714] : memref<8x128x64xf32, #tpu.memory_space<vmem>> -> memref<1x128x64xf32, #tpu.memory_space<vmem>>
      %dma_wait3A_716 = tpu.memref_squeeze %dma_wait3A_715 : memref<1x128x64xf32, #tpu.memory_space<vmem>> -> memref<128x64xf32, #tpu.memory_space<vmem>>
      %dma_wait3A_717 = arith.constant 0 : i32
      %dma_wait3A_718 = arith.constant 0 : i32
      %dma_wait3A_719 = tpu.memref_slice %arg3[%dma_wait3A_717, %dma_wait3A_718] : memref<1000000x64xf32, #tpu.memory_space<hbm>> -> memref<128x64xf32, #tpu.memory_space<hbm>>
      tpu.wait_dma2 semaphore(%arg7 : memref<!tpu.dma_semaphore, #tpu.memory_space<semaphore_mem>>) src(%dma_wait3A_719 : memref<128x64xf32, #tpu.memory_space<hbm>>) dst(%dma_wait3A_716 : memref<128x64xf32, #tpu.memory_space<vmem>>)
      %mul3A_720 = arith.constant 128 : i32
      %mul3A_721 = arith.muli %add3A_704, %mul3A_720 : i32
      %add3A_722 = arith.addi %mul3A_2, %mul3A_721 : i32
      %dma_start3A_723 = arith.constant 0 : i32
      %dma_start3A_724 = arith.constant 0 : i32
      %dma_start3A_725 = arith.constant 0 : i32
      %dma_start3A_726 = tpu.memref_slice %arg6[%dma_start3A_723, %dma_start3A_724, %dma_start3A_725] : memref<8x128x64xf32, #tpu.memory_space<vmem>> -> memref<1x128x64xf32, #tpu.memory_space<vmem>>
      %dma_start3A_727 = tpu.memref_squeeze %dma_start3A_726 : memref<1x128x64xf32, #tpu.memory_space<vmem>> -> memref<128x64xf32, #tpu.memory_space<vmem>>
      %dma_start3A_728 = arith.constant 0 : i32
      %dma_start3A_729 = tpu.memref_slice %arg4[%add3A_722, %dma_start3A_728] : memref<819200x64xf32, #tpu.memory_space<hbm>> -> memref<128x64xf32, #tpu.memory_space<hbm>>
      %dma_start3A_730 = arith.constant 0 : i32
      %dma_start3A_731 = tpu.memref_slice %arg4[%add3A_722, %dma_start3A_730] : memref<819200x64xf32, #tpu.memory_space<hbm>> -> memref<128x64xf32, #tpu.memory_space<hbm>>
      %dma_start3A_732 = arith.constant 0 : i32
      %dma_start3A_733 = arith.constant 0 : i32
      %dma_start3A_734 = tpu.memref_slice %arg6[%dma_start3A_723, %dma_start3A_732, %dma_start3A_733] : memref<8x128x64xf32, #tpu.memory_space<vmem>> -> memref<1x128x64xf32, #tpu.memory_space<vmem>>
      %dma_start3A_735 = tpu.memref_squeeze %dma_start3A_734 : memref<1x128x64xf32, #tpu.memory_space<vmem>> -> memref<128x64xf32, #tpu.memory_space<vmem>>
      tpu.enqueue_dma source(%dma_start3A_735 : memref<128x64xf32, #tpu.memory_space<vmem>>) target(%dma_start3A_731 : memref<128x64xf32, #tpu.memory_space<hbm>>) target_semaphore(%arg8 : memref<!tpu.dma_semaphore, #tpu.memory_space<semaphore_mem>>)
      %dma_wait3A_736 = arith.constant 4 : i32
      %dma_wait3A_737 = arith.constant 0 : i32
      %dma_wait3A_738 = arith.constant 0 : i32
      %dma_wait3A_739 = tpu.memref_slice %arg6[%dma_wait3A_736, %dma_wait3A_737, %dma_wait3A_738] : memref<8x128x64xf32, #tpu.memory_space<vmem>> -> memref<1x128x64xf32, #tpu.memory_space<vmem>>
      %dma_wait3A_740 = tpu.memref_squeeze %dma_wait3A_739 : memref<1x128x64xf32, #tpu.memory_space<vmem>> -> memref<128x64xf32, #tpu.memory_space<vmem>>
      %dma_wait3A_741 = arith.constant 0 : i32
      %dma_wait3A_742 = arith.constant 0 : i32
      %dma_wait3A_743 = tpu.memref_slice %arg4[%dma_wait3A_741, %dma_wait3A_742] : memref<819200x64xf32, #tpu.memory_space<hbm>> -> memref<128x64xf32, #tpu.memory_space<hbm>>
      %dma_wait3A_744 = arith.constant 0 : i32
      %dma_wait3A_745 = arith.constant 0 : i32
      %dma_wait3A_746 = tpu.memref_slice %arg4[%dma_wait3A_744, %dma_wait3A_745] : memref<819200x64xf32, #tpu.memory_space<hbm>> -> memref<128x64xf32, #tpu.memory_space<hbm>>
      %dma_wait3A_747 = arith.constant 0 : i32
      %dma_wait3A_748 = arith.constant 0 : i32
      %dma_wait3A_749 = tpu.memref_slice %arg6[%dma_wait3A_736, %dma_wait3A_747, %dma_wait3A_748] : memref<8x128x64xf32, #tpu.memory_space<vmem>> -> memref<1x128x64xf32, #tpu.memory_space<vmem>>
      %dma_wait3A_750 = tpu.memref_squeeze %dma_wait3A_749 : memref<1x128x64xf32, #tpu.memory_space<vmem>> -> memref<128x64xf32, #tpu.memory_space<vmem>>
      tpu.wait_dma2 semaphore(%arg8 : memref<!tpu.dma_semaphore, #tpu.memory_space<semaphore_mem>>) src(%dma_wait3A_750 : memref<128x64xf32, #tpu.memory_space<vmem>>) dst(%dma_wait3A_746 : memref<128x64xf32, #tpu.memory_space<hbm>>)
      %add3A_751 = arith.constant 4 : i32
      %add3A_752 = arith.addi %add3A_704, %add3A_751 : i32
      %mul3A_753 = arith.constant 128 : i32
      %mul3A_754 = arith.muli %add3A_752, %mul3A_753 : i32
      %add3A_755 = arith.constant 0 : i32
      %add3A_756 = arith.addi %mul3A_754, %add3A_755 : i32
      %dma_start3A_757 = arith.constant 4 : i32
      %dma_start3A_758 = arith.constant 0 : i32
      %dma_start3A_759 = arith.constant 0 : i32
      %dma_start3A_760 = tpu.memref_slice %arg6[%dma_start3A_757, %dma_start3A_758, %dma_start3A_759] : memref<8x128x64xf32, #tpu.memory_space<vmem>> -> memref<1x128x64xf32, #tpu.memory_space<vmem>>
      %dma_start3A_761 = tpu.memref_squeeze %dma_start3A_760 : memref<1x128x64xf32, #tpu.memory_space<vmem>> -> memref<128x64xf32, #tpu.memory_space<vmem>>
      %dma_start3A_762 = tpu.memref_slice %arg5[%add3A_756] : memref<25600xi32, #tpu.memory_space<vmem>> -> memref<128xi32, #tpu.memory_space<vmem>>
      %dma_start3A_763 = arith.constant 0 : i32
      %dma_start3A_764 = arith.constant 0 : i32
      %dma_start3A_765 = tpu.memref_slice %arg3[%dma_start3A_763, %dma_start3A_764] : memref<1000000x64xf32, #tpu.memory_space<hbm>> -> memref<1000000x64xf32, #tpu.memory_space<hbm>>
      tpu.enqueue_indirect_dma source(%dma_start3A_765 : memref<1000000x64xf32, #tpu.memory_space<hbm>>) target(%dma_start3A_761 : memref<128x64xf32, #tpu.memory_space<vmem>>) offsets(%dma_start3A_762 : memref<128xi32, #tpu.memory_space<vmem>>) semaphore(%arg7 : memref<!tpu.dma_semaphore, #tpu.memory_space<semaphore_mem>>)
      %add3A_766 = arith.constant 5 : i32
      %add3A_767 = arith.addi %add3A_450, %add3A_766 : i32
      %dma_wait3A_768 = arith.constant 1 : i32
      %dma_wait3A_769 = arith.constant 0 : i32
      %dma_wait3A_770 = arith.constant 0 : i32
      %dma_wait3A_771 = tpu.memref_slice %arg6[%dma_wait3A_768, %dma_wait3A_769, %dma_wait3A_770] : memref<8x128x64xf32, #tpu.memory_space<vmem>> -> memref<1x128x64xf32, #tpu.memory_space<vmem>>
      %dma_wait3A_772 = tpu.memref_squeeze %dma_wait3A_771 : memref<1x128x64xf32, #tpu.memory_space<vmem>> -> memref<128x64xf32, #tpu.memory_space<vmem>>
      %dma_wait3A_773 = arith.constant 0 : i32
      %dma_wait3A_774 = arith.constant 0 : i32
      %dma_wait3A_775 = tpu.memref_slice %arg3[%dma_wait3A_773, %dma_wait3A_774] : memref<1000000x64xf32, #tpu.memory_space<hbm>> -> memref<128x64xf32, #tpu.memory_space<hbm>>
      %dma_wait3A_776 = arith.constant 0 : i32
      %dma_wait3A_777 = arith.constant 0 : i32
      %dma_wait3A_778 = tpu.memref_slice %arg6[%dma_wait3A_768, %dma_wait3A_776, %dma_wait3A_777] : memref<8x128x64xf32, #tpu.memory_space<vmem>> -> memref<1x128x64xf32, #tpu.memory_space<vmem>>
      %dma_wait3A_779 = tpu.memref_squeeze %dma_wait3A_778 : memref<1x128x64xf32, #tpu.memory_space<vmem>> -> memref<128x64xf32, #tpu.memory_space<vmem>>
      %dma_wait3A_780 = arith.constant 0 : i32
      %dma_wait3A_781 = arith.constant 0 : i32
      %dma_wait3A_782 = tpu.memref_slice %arg3[%dma_wait3A_780, %dma_wait3A_781] : memref<1000000x64xf32, #tpu.memory_space<hbm>> -> memref<128x64xf32, #tpu.memory_space<hbm>>
      tpu.wait_dma2 semaphore(%arg7 : memref<!tpu.dma_semaphore, #tpu.memory_space<semaphore_mem>>) src(%dma_wait3A_782 : memref<128x64xf32, #tpu.memory_space<hbm>>) dst(%dma_wait3A_779 : memref<128x64xf32, #tpu.memory_space<vmem>>)
      %mul3A_783 = arith.constant 128 : i32
      %mul3A_784 = arith.muli %add3A_767, %mul3A_783 : i32
      %add3A_785 = arith.addi %mul3A_2, %mul3A_784 : i32
      %dma_start3A_786 = arith.constant 1 : i32
      %dma_start3A_787 = arith.constant 0 : i32
      %dma_start3A_788 = arith.constant 0 : i32
      %dma_start3A_789 = tpu.memref_slice %arg6[%dma_start3A_786, %dma_start3A_787, %dma_start3A_788] : memref<8x128x64xf32, #tpu.memory_space<vmem>> -> memref<1x128x64xf32, #tpu.memory_space<vmem>>
      %dma_start3A_790 = tpu.memref_squeeze %dma_start3A_789 : memref<1x128x64xf32, #tpu.memory_space<vmem>> -> memref<128x64xf32, #tpu.memory_space<vmem>>
      %dma_start3A_791 = arith.constant 0 : i32
      %dma_start3A_792 = tpu.memref_slice %arg4[%add3A_785, %dma_start3A_791] : memref<819200x64xf32, #tpu.memory_space<hbm>> -> memref<128x64xf32, #tpu.memory_space<hbm>>
      %dma_start3A_793 = arith.constant 0 : i32
      %dma_start3A_794 = tpu.memref_slice %arg4[%add3A_785, %dma_start3A_793] : memref<819200x64xf32, #tpu.memory_space<hbm>> -> memref<128x64xf32, #tpu.memory_space<hbm>>
      %dma_start3A_795 = arith.constant 0 : i32
      %dma_start3A_796 = arith.constant 0 : i32
      %dma_start3A_797 = tpu.memref_slice %arg6[%dma_start3A_786, %dma_start3A_795, %dma_start3A_796] : memref<8x128x64xf32, #tpu.memory_space<vmem>> -> memref<1x128x64xf32, #tpu.memory_space<vmem>>
      %dma_start3A_798 = tpu.memref_squeeze %dma_start3A_797 : memref<1x128x64xf32, #tpu.memory_space<vmem>> -> memref<128x64xf32, #tpu.memory_space<vmem>>
      tpu.enqueue_dma source(%dma_start3A_798 : memref<128x64xf32, #tpu.memory_space<vmem>>) target(%dma_start3A_794 : memref<128x64xf32, #tpu.memory_space<hbm>>) target_semaphore(%arg8 : memref<!tpu.dma_semaphore, #tpu.memory_space<semaphore_mem>>)
      %dma_wait3A_799 = arith.constant 5 : i32
      %dma_wait3A_800 = arith.constant 0 : i32
      %dma_wait3A_801 = arith.constant 0 : i32
      %dma_wait3A_802 = tpu.memref_slice %arg6[%dma_wait3A_799, %dma_wait3A_800, %dma_wait3A_801] : memref<8x128x64xf32, #tpu.memory_space<vmem>> -> memref<1x128x64xf32, #tpu.memory_space<vmem>>
      %dma_wait3A_803 = tpu.memref_squeeze %dma_wait3A_802 : memref<1x128x64xf32, #tpu.memory_space<vmem>> -> memref<128x64xf32, #tpu.memory_space<vmem>>
      %dma_wait3A_804 = arith.constant 0 : i32
      %dma_wait3A_805 = arith.constant 0 : i32
      %dma_wait3A_806 = tpu.memref_slice %arg4[%dma_wait3A_804, %dma_wait3A_805] : memref<819200x64xf32, #tpu.memory_space<hbm>> -> memref<128x64xf32, #tpu.memory_space<hbm>>
      %dma_wait3A_807 = arith.constant 0 : i32
      %dma_wait3A_808 = arith.constant 0 : i32
      %dma_wait3A_809 = tpu.memref_slice %arg4[%dma_wait3A_807, %dma_wait3A_808] : memref<819200x64xf32, #tpu.memory_space<hbm>> -> memref<128x64xf32, #tpu.memory_space<hbm>>
      %dma_wait3A_810 = arith.constant 0 : i32
      %dma_wait3A_811 = arith.constant 0 : i32
      %dma_wait3A_812 = tpu.memref_slice %arg6[%dma_wait3A_799, %dma_wait3A_810, %dma_wait3A_811] : memref<8x128x64xf32, #tpu.memory_space<vmem>> -> memref<1x128x64xf32, #tpu.memory_space<vmem>>
      %dma_wait3A_813 = tpu.memref_squeeze %dma_wait3A_812 : memref<1x128x64xf32, #tpu.memory_space<vmem>> -> memref<128x64xf32, #tpu.memory_space<vmem>>
      tpu.wait_dma2 semaphore(%arg8 : memref<!tpu.dma_semaphore, #tpu.memory_space<semaphore_mem>>) src(%dma_wait3A_813 : memref<128x64xf32, #tpu.memory_space<vmem>>) dst(%dma_wait3A_809 : memref<128x64xf32, #tpu.memory_space<hbm>>)
      %add3A_814 = arith.constant 4 : i32
      %add3A_815 = arith.addi %add3A_767, %add3A_814 : i32
      %mul3A_816 = arith.constant 128 : i32
      %mul3A_817 = arith.muli %add3A_815, %mul3A_816 : i32
      %add3A_818 = arith.constant 0 : i32
      %add3A_819 = arith.addi %mul3A_817, %add3A_818 : i32
      %dma_start3A_820 = arith.constant 5 : i32
      %dma_start3A_821 = arith.constant 0 : i32
      %dma_start3A_822 = arith.constant 0 : i32
      %dma_start3A_823 = tpu.memref_slice %arg6[%dma_start3A_820, %dma_start3A_821, %dma_start3A_822] : memref<8x128x64xf32, #tpu.memory_space<vmem>> -> memref<1x128x64xf32, #tpu.memory_space<vmem>>
      %dma_start3A_824 = tpu.memref_squeeze %dma_start3A_823 : memref<1x128x64xf32, #tpu.memory_space<vmem>> -> memref<128x64xf32, #tpu.memory_space<vmem>>
      %dma_start3A_825 = tpu.memref_slice %arg5[%add3A_819] : memref<25600xi32, #tpu.memory_space<vmem>> -> memref<128xi32, #tpu.memory_space<vmem>>
      %dma_start3A_826 = arith.constant 0 : i32
      %dma_start3A_827 = arith.constant 0 : i32
      %dma_start3A_828 = tpu.memref_slice %arg3[%dma_start3A_826, %dma_start3A_827] : memref<1000000x64xf32, #tpu.memory_space<hbm>> -> memref<1000000x64xf32, #tpu.memory_space<hbm>>
      tpu.enqueue_indirect_dma source(%dma_start3A_828 : memref<1000000x64xf32, #tpu.memory_space<hbm>>) target(%dma_start3A_824 : memref<128x64xf32, #tpu.memory_space<vmem>>) offsets(%dma_start3A_825 : memref<128xi32, #tpu.memory_space<vmem>>) semaphore(%arg7 : memref<!tpu.dma_semaphore, #tpu.memory_space<semaphore_mem>>)
      %add3A_829 = arith.constant 6 : i32
      %add3A_830 = arith.addi %add3A_450, %add3A_829 : i32
      %dma_wait3A_831 = arith.constant 2 : i32
      %dma_wait3A_832 = arith.constant 0 : i32
      %dma_wait3A_833 = arith.constant 0 : i32
      %dma_wait3A_834 = tpu.memref_slice %arg6[%dma_wait3A_831, %dma_wait3A_832, %dma_wait3A_833] : memref<8x128x64xf32, #tpu.memory_space<vmem>> -> memref<1x128x64xf32, #tpu.memory_space<vmem>>
      %dma_wait3A_835 = tpu.memref_squeeze %dma_wait3A_834 : memref<1x128x64xf32, #tpu.memory_space<vmem>> -> memref<128x64xf32, #tpu.memory_space<vmem>>
      %dma_wait3A_836 = arith.constant 0 : i32
      %dma_wait3A_837 = arith.constant 0 : i32
      %dma_wait3A_838 = tpu.memref_slice %arg3[%dma_wait3A_836, %dma_wait3A_837] : memref<1000000x64xf32, #tpu.memory_space<hbm>> -> memref<128x64xf32, #tpu.memory_space<hbm>>
      %dma_wait3A_839 = arith.constant 0 : i32
      %dma_wait3A_840 = arith.constant 0 : i32
      %dma_wait3A_841 = tpu.memref_slice %arg6[%dma_wait3A_831, %dma_wait3A_839, %dma_wait3A_840] : memref<8x128x64xf32, #tpu.memory_space<vmem>> -> memref<1x128x64xf32, #tpu.memory_space<vmem>>
      %dma_wait3A_842 = tpu.memref_squeeze %dma_wait3A_841 : memref<1x128x64xf32, #tpu.memory_space<vmem>> -> memref<128x64xf32, #tpu.memory_space<vmem>>
      %dma_wait3A_843 = arith.constant 0 : i32
      %dma_wait3A_844 = arith.constant 0 : i32
      %dma_wait3A_845 = tpu.memref_slice %arg3[%dma_wait3A_843, %dma_wait3A_844] : memref<1000000x64xf32, #tpu.memory_space<hbm>> -> memref<128x64xf32, #tpu.memory_space<hbm>>
      tpu.wait_dma2 semaphore(%arg7 : memref<!tpu.dma_semaphore, #tpu.memory_space<semaphore_mem>>) src(%dma_wait3A_845 : memref<128x64xf32, #tpu.memory_space<hbm>>) dst(%dma_wait3A_842 : memref<128x64xf32, #tpu.memory_space<vmem>>)
      %mul3A_846 = arith.constant 128 : i32
      %mul3A_847 = arith.muli %add3A_830, %mul3A_846 : i32
      %add3A_848 = arith.addi %mul3A_2, %mul3A_847 : i32
      %dma_start3A_849 = arith.constant 2 : i32
      %dma_start3A_850 = arith.constant 0 : i32
      %dma_start3A_851 = arith.constant 0 : i32
      %dma_start3A_852 = tpu.memref_slice %arg6[%dma_start3A_849, %dma_start3A_850, %dma_start3A_851] : memref<8x128x64xf32, #tpu.memory_space<vmem>> -> memref<1x128x64xf32, #tpu.memory_space<vmem>>
      %dma_start3A_853 = tpu.memref_squeeze %dma_start3A_852 : memref<1x128x64xf32, #tpu.memory_space<vmem>> -> memref<128x64xf32, #tpu.memory_space<vmem>>
      %dma_start3A_854 = arith.constant 0 : i32
      %dma_start3A_855 = tpu.memref_slice %arg4[%add3A_848, %dma_start3A_854] : memref<819200x64xf32, #tpu.memory_space<hbm>> -> memref<128x64xf32, #tpu.memory_space<hbm>>
      %dma_start3A_856 = arith.constant 0 : i32
      %dma_start3A_857 = tpu.memref_slice %arg4[%add3A_848, %dma_start3A_856] : memref<819200x64xf32, #tpu.memory_space<hbm>> -> memref<128x64xf32, #tpu.memory_space<hbm>>
      %dma_start3A_858 = arith.constant 0 : i32
      %dma_start3A_859 = arith.constant 0 : i32
      %dma_start3A_860 = tpu.memref_slice %arg6[%dma_start3A_849, %dma_start3A_858, %dma_start3A_859] : memref<8x128x64xf32, #tpu.memory_space<vmem>> -> memref<1x128x64xf32, #tpu.memory_space<vmem>>
      %dma_start3A_861 = tpu.memref_squeeze %dma_start3A_860 : memref<1x128x64xf32, #tpu.memory_space<vmem>> -> memref<128x64xf32, #tpu.memory_space<vmem>>
      tpu.enqueue_dma source(%dma_start3A_861 : memref<128x64xf32, #tpu.memory_space<vmem>>) target(%dma_start3A_857 : memref<128x64xf32, #tpu.memory_space<hbm>>) target_semaphore(%arg8 : memref<!tpu.dma_semaphore, #tpu.memory_space<semaphore_mem>>)
      %dma_wait3A_862 = arith.constant 6 : i32
      %dma_wait3A_863 = arith.constant 0 : i32
      %dma_wait3A_864 = arith.constant 0 : i32
      %dma_wait3A_865 = tpu.memref_slice %arg6[%dma_wait3A_862, %dma_wait3A_863, %dma_wait3A_864] : memref<8x128x64xf32, #tpu.memory_space<vmem>> -> memref<1x128x64xf32, #tpu.memory_space<vmem>>
      %dma_wait3A_866 = tpu.memref_squeeze %dma_wait3A_865 : memref<1x128x64xf32, #tpu.memory_space<vmem>> -> memref<128x64xf32, #tpu.memory_space<vmem>>
      %dma_wait3A_867 = arith.constant 0 : i32
      %dma_wait3A_868 = arith.constant 0 : i32
      %dma_wait3A_869 = tpu.memref_slice %arg4[%dma_wait3A_867, %dma_wait3A_868] : memref<819200x64xf32, #tpu.memory_space<hbm>> -> memref<128x64xf32, #tpu.memory_space<hbm>>
      %dma_wait3A_870 = arith.constant 0 : i32
      %dma_wait3A_871 = arith.constant 0 : i32
      %dma_wait3A_872 = tpu.memref_slice %arg4[%dma_wait3A_870, %dma_wait3A_871] : memref<819200x64xf32, #tpu.memory_space<hbm>> -> memref<128x64xf32, #tpu.memory_space<hbm>>
      %dma_wait3A_873 = arith.constant 0 : i32
      %dma_wait3A_874 = arith.constant 0 : i32
      %dma_wait3A_875 = tpu.memref_slice %arg6[%dma_wait3A_862, %dma_wait3A_873, %dma_wait3A_874] : memref<8x128x64xf32, #tpu.memory_space<vmem>> -> memref<1x128x64xf32, #tpu.memory_space<vmem>>
      %dma_wait3A_876 = tpu.memref_squeeze %dma_wait3A_875 : memref<1x128x64xf32, #tpu.memory_space<vmem>> -> memref<128x64xf32, #tpu.memory_space<vmem>>
      tpu.wait_dma2 semaphore(%arg8 : memref<!tpu.dma_semaphore, #tpu.memory_space<semaphore_mem>>) src(%dma_wait3A_876 : memref<128x64xf32, #tpu.memory_space<vmem>>) dst(%dma_wait3A_872 : memref<128x64xf32, #tpu.memory_space<hbm>>)
      %add3A_877 = arith.constant 4 : i32
      %add3A_878 = arith.addi %add3A_830, %add3A_877 : i32
      %mul3A_879 = arith.constant 128 : i32
      %mul3A_880 = arith.muli %add3A_878, %mul3A_879 : i32
      %add3A_881 = arith.constant 0 : i32
      %add3A_882 = arith.addi %mul3A_880, %add3A_881 : i32
      %dma_start3A_883 = arith.constant 6 : i32
      %dma_start3A_884 = arith.constant 0 : i32
      %dma_start3A_885 = arith.constant 0 : i32
      %dma_start3A_886 = tpu.memref_slice %arg6[%dma_start3A_883, %dma_start3A_884, %dma_start3A_885] : memref<8x128x64xf32, #tpu.memory_space<vmem>> -> memref<1x128x64xf32, #tpu.memory_space<vmem>>
      %dma_start3A_887 = tpu.memref_squeeze %dma_start3A_886 : memref<1x128x64xf32, #tpu.memory_space<vmem>> -> memref<128x64xf32, #tpu.memory_space<vmem>>
      %dma_start3A_888 = tpu.memref_slice %arg5[%add3A_882] : memref<25600xi32, #tpu.memory_space<vmem>> -> memref<128xi32, #tpu.memory_space<vmem>>
      %dma_start3A_889 = arith.constant 0 : i32
      %dma_start3A_890 = arith.constant 0 : i32
      %dma_start3A_891 = tpu.memref_slice %arg3[%dma_start3A_889, %dma_start3A_890] : memref<1000000x64xf32, #tpu.memory_space<hbm>> -> memref<1000000x64xf32, #tpu.memory_space<hbm>>
      tpu.enqueue_indirect_dma source(%dma_start3A_891 : memref<1000000x64xf32, #tpu.memory_space<hbm>>) target(%dma_start3A_887 : memref<128x64xf32, #tpu.memory_space<vmem>>) offsets(%dma_start3A_888 : memref<128xi32, #tpu.memory_space<vmem>>) semaphore(%arg7 : memref<!tpu.dma_semaphore, #tpu.memory_space<semaphore_mem>>)
      %add3A_892 = arith.constant 7 : i32
      %add3A_893 = arith.addi %add3A_450, %add3A_892 : i32
      %dma_wait3A_894 = arith.constant 3 : i32
      %dma_wait3A_895 = arith.constant 0 : i32
      %dma_wait3A_896 = arith.constant 0 : i32
      %dma_wait3A_897 = tpu.memref_slice %arg6[%dma_wait3A_894, %dma_wait3A_895, %dma_wait3A_896] : memref<8x128x64xf32, #tpu.memory_space<vmem>> -> memref<1x128x64xf32, #tpu.memory_space<vmem>>
      %dma_wait3A_898 = tpu.memref_squeeze %dma_wait3A_897 : memref<1x128x64xf32, #tpu.memory_space<vmem>> -> memref<128x64xf32, #tpu.memory_space<vmem>>
      %dma_wait3A_899 = arith.constant 0 : i32
      %dma_wait3A_900 = arith.constant 0 : i32
      %dma_wait3A_901 = tpu.memref_slice %arg3[%dma_wait3A_899, %dma_wait3A_900] : memref<1000000x64xf32, #tpu.memory_space<hbm>> -> memref<128x64xf32, #tpu.memory_space<hbm>>
      %dma_wait3A_902 = arith.constant 0 : i32
      %dma_wait3A_903 = arith.constant 0 : i32
      %dma_wait3A_904 = tpu.memref_slice %arg6[%dma_wait3A_894, %dma_wait3A_902, %dma_wait3A_903] : memref<8x128x64xf32, #tpu.memory_space<vmem>> -> memref<1x128x64xf32, #tpu.memory_space<vmem>>
      %dma_wait3A_905 = tpu.memref_squeeze %dma_wait3A_904 : memref<1x128x64xf32, #tpu.memory_space<vmem>> -> memref<128x64xf32, #tpu.memory_space<vmem>>
      %dma_wait3A_906 = arith.constant 0 : i32
      %dma_wait3A_907 = arith.constant 0 : i32
      %dma_wait3A_908 = tpu.memref_slice %arg3[%dma_wait3A_906, %dma_wait3A_907] : memref<1000000x64xf32, #tpu.memory_space<hbm>> -> memref<128x64xf32, #tpu.memory_space<hbm>>
      tpu.wait_dma2 semaphore(%arg7 : memref<!tpu.dma_semaphore, #tpu.memory_space<semaphore_mem>>) src(%dma_wait3A_908 : memref<128x64xf32, #tpu.memory_space<hbm>>) dst(%dma_wait3A_905 : memref<128x64xf32, #tpu.memory_space<vmem>>)
      %mul3A_909 = arith.constant 128 : i32
      %mul3A_910 = arith.muli %add3A_893, %mul3A_909 : i32
      %add3A_911 = arith.addi %mul3A_2, %mul3A_910 : i32
      %dma_start3A_912 = arith.constant 3 : i32
      %dma_start3A_913 = arith.constant 0 : i32
      %dma_start3A_914 = arith.constant 0 : i32
      %dma_start3A_915 = tpu.memref_slice %arg6[%dma_start3A_912, %dma_start3A_913, %dma_start3A_914] : memref<8x128x64xf32, #tpu.memory_space<vmem>> -> memref<1x128x64xf32, #tpu.memory_space<vmem>>
      %dma_start3A_916 = tpu.memref_squeeze %dma_start3A_915 : memref<1x128x64xf32, #tpu.memory_space<vmem>> -> memref<128x64xf32, #tpu.memory_space<vmem>>
      %dma_start3A_917 = arith.constant 0 : i32
      %dma_start3A_918 = tpu.memref_slice %arg4[%add3A_911, %dma_start3A_917] : memref<819200x64xf32, #tpu.memory_space<hbm>> -> memref<128x64xf32, #tpu.memory_space<hbm>>
      %dma_start3A_919 = arith.constant 0 : i32
      %dma_start3A_920 = tpu.memref_slice %arg4[%add3A_911, %dma_start3A_919] : memref<819200x64xf32, #tpu.memory_space<hbm>> -> memref<128x64xf32, #tpu.memory_space<hbm>>
      %dma_start3A_921 = arith.constant 0 : i32
      %dma_start3A_922 = arith.constant 0 : i32
      %dma_start3A_923 = tpu.memref_slice %arg6[%dma_start3A_912, %dma_start3A_921, %dma_start3A_922] : memref<8x128x64xf32, #tpu.memory_space<vmem>> -> memref<1x128x64xf32, #tpu.memory_space<vmem>>
      %dma_start3A_924 = tpu.memref_squeeze %dma_start3A_923 : memref<1x128x64xf32, #tpu.memory_space<vmem>> -> memref<128x64xf32, #tpu.memory_space<vmem>>
      tpu.enqueue_dma source(%dma_start3A_924 : memref<128x64xf32, #tpu.memory_space<vmem>>) target(%dma_start3A_920 : memref<128x64xf32, #tpu.memory_space<hbm>>) target_semaphore(%arg8 : memref<!tpu.dma_semaphore, #tpu.memory_space<semaphore_mem>>)
      %dma_wait3A_925 = arith.constant 7 : i32
      %dma_wait3A_926 = arith.constant 0 : i32
      %dma_wait3A_927 = arith.constant 0 : i32
      %dma_wait3A_928 = tpu.memref_slice %arg6[%dma_wait3A_925, %dma_wait3A_926, %dma_wait3A_927] : memref<8x128x64xf32, #tpu.memory_space<vmem>> -> memref<1x128x64xf32, #tpu.memory_space<vmem>>
      %dma_wait3A_929 = tpu.memref_squeeze %dma_wait3A_928 : memref<1x128x64xf32, #tpu.memory_space<vmem>> -> memref<128x64xf32, #tpu.memory_space<vmem>>
      %dma_wait3A_930 = arith.constant 0 : i32
      %dma_wait3A_931 = arith.constant 0 : i32
      %dma_wait3A_932 = tpu.memref_slice %arg4[%dma_wait3A_930, %dma_wait3A_931] : memref<819200x64xf32, #tpu.memory_space<hbm>> -> memref<128x64xf32, #tpu.memory_space<hbm>>
      %dma_wait3A_933 = arith.constant 0 : i32
      %dma_wait3A_934 = arith.constant 0 : i32
      %dma_wait3A_935 = tpu.memref_slice %arg4[%dma_wait3A_933, %dma_wait3A_934] : memref<819200x64xf32, #tpu.memory_space<hbm>> -> memref<128x64xf32, #tpu.memory_space<hbm>>
      %dma_wait3A_936 = arith.constant 0 : i32
      %dma_wait3A_937 = arith.constant 0 : i32
      %dma_wait3A_938 = tpu.memref_slice %arg6[%dma_wait3A_925, %dma_wait3A_936, %dma_wait3A_937] : memref<8x128x64xf32, #tpu.memory_space<vmem>> -> memref<1x128x64xf32, #tpu.memory_space<vmem>>
      %dma_wait3A_939 = tpu.memref_squeeze %dma_wait3A_938 : memref<1x128x64xf32, #tpu.memory_space<vmem>> -> memref<128x64xf32, #tpu.memory_space<vmem>>
      tpu.wait_dma2 semaphore(%arg8 : memref<!tpu.dma_semaphore, #tpu.memory_space<semaphore_mem>>) src(%dma_wait3A_939 : memref<128x64xf32, #tpu.memory_space<vmem>>) dst(%dma_wait3A_935 : memref<128x64xf32, #tpu.memory_space<hbm>>)
      %add3A_940 = arith.constant 4 : i32
      %add3A_941 = arith.addi %add3A_893, %add3A_940 : i32
      %mul3A_942 = arith.constant 128 : i32
      %mul3A_943 = arith.muli %add3A_941, %mul3A_942 : i32
      %add3A_944 = arith.constant 0 : i32
      %add3A_945 = arith.addi %mul3A_943, %add3A_944 : i32
      %dma_start3A_946 = arith.constant 7 : i32
      %dma_start3A_947 = arith.constant 0 : i32
      %dma_start3A_948 = arith.constant 0 : i32
      %dma_start3A_949 = tpu.memref_slice %arg6[%dma_start3A_946, %dma_start3A_947, %dma_start3A_948] : memref<8x128x64xf32, #tpu.memory_space<vmem>> -> memref<1x128x64xf32, #tpu.memory_space<vmem>>
      %dma_start3A_950 = tpu.memref_squeeze %dma_start3A_949 : memref<1x128x64xf32, #tpu.memory_space<vmem>> -> memref<128x64xf32, #tpu.memory_space<vmem>>
      %dma_start3A_951 = tpu.memref_slice %arg5[%add3A_945] : memref<25600xi32, #tpu.memory_space<vmem>> -> memref<128xi32, #tpu.memory_space<vmem>>
      %dma_start3A_952 = arith.constant 0 : i32
      %dma_start3A_953 = arith.constant 0 : i32
      %dma_start3A_954 = tpu.memref_slice %arg3[%dma_start3A_952, %dma_start3A_953] : memref<1000000x64xf32, #tpu.memory_space<hbm>> -> memref<1000000x64xf32, #tpu.memory_space<hbm>>
      tpu.enqueue_indirect_dma source(%dma_start3A_954 : memref<1000000x64xf32, #tpu.memory_space<hbm>>) target(%dma_start3A_950 : memref<128x64xf32, #tpu.memory_space<vmem>>) offsets(%dma_start3A_951 : memref<128xi32, #tpu.memory_space<vmem>>) semaphore(%arg7 : memref<!tpu.dma_semaphore, #tpu.memory_space<semaphore_mem>>)
    }
    %scan3A_205 = arith.constant 24 : i32
    %dma_wait3A_206 = arith.constant 4 : i32
    %dma_wait3A_207 = arith.constant 0 : i32
    %dma_wait3A_208 = arith.constant 0 : i32
    %dma_wait3A_209 = tpu.memref_slice %arg6[%dma_wait3A_206, %dma_wait3A_207, %dma_wait3A_208] : memref<8x128x64xf32, #tpu.memory_space<vmem>> -> memref<1x128x64xf32, #tpu.memory_space<vmem>>
    %dma_wait3A_210 = tpu.memref_squeeze %dma_wait3A_209 : memref<1x128x64xf32, #tpu.memory_space<vmem>> -> memref<128x64xf32, #tpu.memory_space<vmem>>
    %dma_wait3A_211 = arith.constant 0 : i32
    %dma_wait3A_212 = arith.constant 0 : i32
    %dma_wait3A_213 = tpu.memref_slice %arg3[%dma_wait3A_211, %dma_wait3A_212] : memref<1000000x64xf32, #tpu.memory_space<hbm>> -> memref<128x64xf32, #tpu.memory_space<hbm>>
    %dma_wait3A_214 = arith.constant 0 : i32
    %dma_wait3A_215 = arith.constant 0 : i32
    %dma_wait3A_216 = tpu.memref_slice %arg6[%dma_wait3A_206, %dma_wait3A_214, %dma_wait3A_215] : memref<8x128x64xf32, #tpu.memory_space<vmem>> -> memref<1x128x64xf32, #tpu.memory_space<vmem>>
    %dma_wait3A_217 = tpu.memref_squeeze %dma_wait3A_216 : memref<1x128x64xf32, #tpu.memory_space<vmem>> -> memref<128x64xf32, #tpu.memory_space<vmem>>
    %dma_wait3A_218 = arith.constant 0 : i32
    %dma_wait3A_219 = arith.constant 0 : i32
    %dma_wait3A_220 = tpu.memref_slice %arg3[%dma_wait3A_218, %dma_wait3A_219] : memref<1000000x64xf32, #tpu.memory_space<hbm>> -> memref<128x64xf32, #tpu.memory_space<hbm>>
    tpu.wait_dma2 semaphore(%arg7 : memref<!tpu.dma_semaphore, #tpu.memory_space<semaphore_mem>>) src(%dma_wait3A_220 : memref<128x64xf32, #tpu.memory_space<hbm>>) dst(%dma_wait3A_217 : memref<128x64xf32, #tpu.memory_space<vmem>>)
    %add3A_221 = arith.constant 25088 : i32
    %add3A_222 = arith.addi %mul3A_2, %add3A_221 : i32
    %dma_start3A_223 = arith.constant 4 : i32
    %dma_start3A_224 = arith.constant 0 : i32
    %dma_start3A_225 = arith.constant 0 : i32
    %dma_start3A_226 = tpu.memref_slice %arg6[%dma_start3A_223, %dma_start3A_224, %dma_start3A_225] : memref<8x128x64xf32, #tpu.memory_space<vmem>> -> memref<1x128x64xf32, #tpu.memory_space<vmem>>
    %dma_start3A_227 = tpu.memref_squeeze %dma_start3A_226 : memref<1x128x64xf32, #tpu.memory_space<vmem>> -> memref<128x64xf32, #tpu.memory_space<vmem>>
    %dma_start3A_228 = arith.constant 0 : i32
    %dma_start3A_229 = tpu.memref_slice %arg4[%add3A_222, %dma_start3A_228] : memref<819200x64xf32, #tpu.memory_space<hbm>> -> memref<128x64xf32, #tpu.memory_space<hbm>>
    %dma_start3A_230 = arith.constant 0 : i32
    %dma_start3A_231 = tpu.memref_slice %arg4[%add3A_222, %dma_start3A_230] : memref<819200x64xf32, #tpu.memory_space<hbm>> -> memref<128x64xf32, #tpu.memory_space<hbm>>
    %dma_start3A_232 = arith.constant 0 : i32
    %dma_start3A_233 = arith.constant 0 : i32
    %dma_start3A_234 = tpu.memref_slice %arg6[%dma_start3A_223, %dma_start3A_232, %dma_start3A_233] : memref<8x128x64xf32, #tpu.memory_space<vmem>> -> memref<1x128x64xf32, #tpu.memory_space<vmem>>
    %dma_start3A_235 = tpu.memref_squeeze %dma_start3A_234 : memref<1x128x64xf32, #tpu.memory_space<vmem>> -> memref<128x64xf32, #tpu.memory_space<vmem>>
    tpu.enqueue_dma source(%dma_start3A_235 : memref<128x64xf32, #tpu.memory_space<vmem>>) target(%dma_start3A_231 : memref<128x64xf32, #tpu.memory_space<hbm>>) target_semaphore(%arg8 : memref<!tpu.dma_semaphore, #tpu.memory_space<semaphore_mem>>)
    %dma_wait3A_236 = arith.constant 0 : i32
    %dma_wait3A_237 = arith.constant 0 : i32
    %dma_wait3A_238 = arith.constant 0 : i32
    %dma_wait3A_239 = tpu.memref_slice %arg6[%dma_wait3A_236, %dma_wait3A_237, %dma_wait3A_238] : memref<8x128x64xf32, #tpu.memory_space<vmem>> -> memref<1x128x64xf32, #tpu.memory_space<vmem>>
    %dma_wait3A_240 = tpu.memref_squeeze %dma_wait3A_239 : memref<1x128x64xf32, #tpu.memory_space<vmem>> -> memref<128x64xf32, #tpu.memory_space<vmem>>
    %dma_wait3A_241 = arith.constant 0 : i32
    %dma_wait3A_242 = arith.constant 0 : i32
    %dma_wait3A_243 = tpu.memref_slice %arg4[%dma_wait3A_241, %dma_wait3A_242] : memref<819200x64xf32, #tpu.memory_space<hbm>> -> memref<128x64xf32, #tpu.memory_space<hbm>>
    %dma_wait3A_244 = arith.constant 0 : i32
    %dma_wait3A_245 = arith.constant 0 : i32
    %dma_wait3A_246 = tpu.memref_slice %arg4[%dma_wait3A_244, %dma_wait3A_245] : memref<819200x64xf32, #tpu.memory_space<hbm>> -> memref<128x64xf32, #tpu.memory_space<hbm>>
    %dma_wait3A_247 = arith.constant 0 : i32
    %dma_wait3A_248 = arith.constant 0 : i32
    %dma_wait3A_249 = tpu.memref_slice %arg6[%dma_wait3A_236, %dma_wait3A_247, %dma_wait3A_248] : memref<8x128x64xf32, #tpu.memory_space<vmem>> -> memref<1x128x64xf32, #tpu.memory_space<vmem>>
    %dma_wait3A_250 = tpu.memref_squeeze %dma_wait3A_249 : memref<1x128x64xf32, #tpu.memory_space<vmem>> -> memref<128x64xf32, #tpu.memory_space<vmem>>
    tpu.wait_dma2 semaphore(%arg8 : memref<!tpu.dma_semaphore, #tpu.memory_space<semaphore_mem>>) src(%dma_wait3A_250 : memref<128x64xf32, #tpu.memory_space<vmem>>) dst(%dma_wait3A_246 : memref<128x64xf32, #tpu.memory_space<hbm>>)
    %dma_wait3A_251 = arith.constant 5 : i32
    %dma_wait3A_252 = arith.constant 0 : i32
    %dma_wait3A_253 = arith.constant 0 : i32
    %dma_wait3A_254 = tpu.memref_slice %arg6[%dma_wait3A_251, %dma_wait3A_252, %dma_wait3A_253] : memref<8x128x64xf32, #tpu.memory_space<vmem>> -> memref<1x128x64xf32, #tpu.memory_space<vmem>>
    %dma_wait3A_255 = tpu.memref_squeeze %dma_wait3A_254 : memref<1x128x64xf32, #tpu.memory_space<vmem>> -> memref<128x64xf32, #tpu.memory_space<vmem>>
    %dma_wait3A_256 = arith.constant 0 : i32
    %dma_wait3A_257 = arith.constant 0 : i32
    %dma_wait3A_258 = tpu.memref_slice %arg3[%dma_wait3A_256, %dma_wait3A_257] : memref<1000000x64xf32, #tpu.memory_space<hbm>> -> memref<128x64xf32, #tpu.memory_space<hbm>>
    %dma_wait3A_259 = arith.constant 0 : i32
    %dma_wait3A_260 = arith.constant 0 : i32
    %dma_wait3A_261 = tpu.memref_slice %arg6[%dma_wait3A_251, %dma_wait3A_259, %dma_wait3A_260] : memref<8x128x64xf32, #tpu.memory_space<vmem>> -> memref<1x128x64xf32, #tpu.memory_space<vmem>>
    %dma_wait3A_262 = tpu.memref_squeeze %dma_wait3A_261 : memref<1x128x64xf32, #tpu.memory_space<vmem>> -> memref<128x64xf32, #tpu.memory_space<vmem>>
    %dma_wait3A_263 = arith.constant 0 : i32
    %dma_wait3A_264 = arith.constant 0 : i32
    %dma_wait3A_265 = tpu.memref_slice %arg3[%dma_wait3A_263, %dma_wait3A_264] : memref<1000000x64xf32, #tpu.memory_space<hbm>> -> memref<128x64xf32, #tpu.memory_space<hbm>>
    tpu.wait_dma2 semaphore(%arg7 : memref<!tpu.dma_semaphore, #tpu.memory_space<semaphore_mem>>) src(%dma_wait3A_265 : memref<128x64xf32, #tpu.memory_space<hbm>>) dst(%dma_wait3A_262 : memref<128x64xf32, #tpu.memory_space<vmem>>)
    %add3A_266 = arith.constant 25216 : i32
    %add3A_267 = arith.addi %mul3A_2, %add3A_266 : i32
    %dma_start3A_268 = arith.constant 5 : i32
    %dma_start3A_269 = arith.constant 0 : i32
    %dma_start3A_270 = arith.constant 0 : i32
    %dma_start3A_271 = tpu.memref_slice %arg6[%dma_start3A_268, %dma_start3A_269, %dma_start3A_270] : memref<8x128x64xf32, #tpu.memory_space<vmem>> -> memref<1x128x64xf32, #tpu.memory_space<vmem>>
    %dma_start3A_272 = tpu.memref_squeeze %dma_start3A_271 : memref<1x128x64xf32, #tpu.memory_space<vmem>> -> memref<128x64xf32, #tpu.memory_space<vmem>>
    %dma_start3A_273 = arith.constant 0 : i32
    %dma_start3A_274 = tpu.memref_slice %arg4[%add3A_267, %dma_start3A_273] : memref<819200x64xf32, #tpu.memory_space<hbm>> -> memref<128x64xf32, #tpu.memory_space<hbm>>
    %dma_start3A_275 = arith.constant 0 : i32
    %dma_start3A_276 = tpu.memref_slice %arg4[%add3A_267, %dma_start3A_275] : memref<819200x64xf32, #tpu.memory_space<hbm>> -> memref<128x64xf32, #tpu.memory_space<hbm>>
    %dma_start3A_277 = arith.constant 0 : i32
    %dma_start3A_278 = arith.constant 0 : i32
    %dma_start3A_279 = tpu.memref_slice %arg6[%dma_start3A_268, %dma_start3A_277, %dma_start3A_278] : memref<8x128x64xf32, #tpu.memory_space<vmem>> -> memref<1x128x64xf32, #tpu.memory_space<vmem>>
    %dma_start3A_280 = tpu.memref_squeeze %dma_start3A_279 : memref<1x128x64xf32, #tpu.memory_space<vmem>> -> memref<128x64xf32, #tpu.memory_space<vmem>>
    tpu.enqueue_dma source(%dma_start3A_280 : memref<128x64xf32, #tpu.memory_space<vmem>>) target(%dma_start3A_276 : memref<128x64xf32, #tpu.memory_space<hbm>>) target_semaphore(%arg8 : memref<!tpu.dma_semaphore, #tpu.memory_space<semaphore_mem>>)
    %dma_wait3A_281 = arith.constant 1 : i32
    %dma_wait3A_282 = arith.constant 0 : i32
    %dma_wait3A_283 = arith.constant 0 : i32
    %dma_wait3A_284 = tpu.memref_slice %arg6[%dma_wait3A_281, %dma_wait3A_282, %dma_wait3A_283] : memref<8x128x64xf32, #tpu.memory_space<vmem>> -> memref<1x128x64xf32, #tpu.memory_space<vmem>>
    %dma_wait3A_285 = tpu.memref_squeeze %dma_wait3A_284 : memref<1x128x64xf32, #tpu.memory_space<vmem>> -> memref<128x64xf32, #tpu.memory_space<vmem>>
    %dma_wait3A_286 = arith.constant 0 : i32
    %dma_wait3A_287 = arith.constant 0 : i32
    %dma_wait3A_288 = tpu.memref_slice %arg4[%dma_wait3A_286, %dma_wait3A_287] : memref<819200x64xf32, #tpu.memory_space<hbm>> -> memref<128x64xf32, #tpu.memory_space<hbm>>
    %dma_wait3A_289 = arith.constant 0 : i32
    %dma_wait3A_290 = arith.constant 0 : i32
    %dma_wait3A_291 = tpu.memref_slice %arg4[%dma_wait3A_289, %dma_wait3A_290] : memref<819200x64xf32, #tpu.memory_space<hbm>> -> memref<128x64xf32, #tpu.memory_space<hbm>>
    %dma_wait3A_292 = arith.constant 0 : i32
    %dma_wait3A_293 = arith.constant 0 : i32
    %dma_wait3A_294 = tpu.memref_slice %arg6[%dma_wait3A_281, %dma_wait3A_292, %dma_wait3A_293] : memref<8x128x64xf32, #tpu.memory_space<vmem>> -> memref<1x128x64xf32, #tpu.memory_space<vmem>>
    %dma_wait3A_295 = tpu.memref_squeeze %dma_wait3A_294 : memref<1x128x64xf32, #tpu.memory_space<vmem>> -> memref<128x64xf32, #tpu.memory_space<vmem>>
    tpu.wait_dma2 semaphore(%arg8 : memref<!tpu.dma_semaphore, #tpu.memory_space<semaphore_mem>>) src(%dma_wait3A_295 : memref<128x64xf32, #tpu.memory_space<vmem>>) dst(%dma_wait3A_291 : memref<128x64xf32, #tpu.memory_space<hbm>>)
    %dma_wait3A_296 = arith.constant 6 : i32
    %dma_wait3A_297 = arith.constant 0 : i32
    %dma_wait3A_298 = arith.constant 0 : i32
    %dma_wait3A_299 = tpu.memref_slice %arg6[%dma_wait3A_296, %dma_wait3A_297, %dma_wait3A_298] : memref<8x128x64xf32, #tpu.memory_space<vmem>> -> memref<1x128x64xf32, #tpu.memory_space<vmem>>
    %dma_wait3A_300 = tpu.memref_squeeze %dma_wait3A_299 : memref<1x128x64xf32, #tpu.memory_space<vmem>> -> memref<128x64xf32, #tpu.memory_space<vmem>>
    %dma_wait3A_301 = arith.constant 0 : i32
    %dma_wait3A_302 = arith.constant 0 : i32
    %dma_wait3A_303 = tpu.memref_slice %arg3[%dma_wait3A_301, %dma_wait3A_302] : memref<1000000x64xf32, #tpu.memory_space<hbm>> -> memref<128x64xf32, #tpu.memory_space<hbm>>
    %dma_wait3A_304 = arith.constant 0 : i32
    %dma_wait3A_305 = arith.constant 0 : i32
    %dma_wait3A_306 = tpu.memref_slice %arg6[%dma_wait3A_296, %dma_wait3A_304, %dma_wait3A_305] : memref<8x128x64xf32, #tpu.memory_space<vmem>> -> memref<1x128x64xf32, #tpu.memory_space<vmem>>
    %dma_wait3A_307 = tpu.memref_squeeze %dma_wait3A_306 : memref<1x128x64xf32, #tpu.memory_space<vmem>> -> memref<128x64xf32, #tpu.memory_space<vmem>>
    %dma_wait3A_308 = arith.constant 0 : i32
    %dma_wait3A_309 = arith.constant 0 : i32
    %dma_wait3A_310 = tpu.memref_slice %arg3[%dma_wait3A_308, %dma_wait3A_309] : memref<1000000x64xf32, #tpu.memory_space<hbm>> -> memref<128x64xf32, #tpu.memory_space<hbm>>
    tpu.wait_dma2 semaphore(%arg7 : memref<!tpu.dma_semaphore, #tpu.memory_space<semaphore_mem>>) src(%dma_wait3A_310 : memref<128x64xf32, #tpu.memory_space<hbm>>) dst(%dma_wait3A_307 : memref<128x64xf32, #tpu.memory_space<vmem>>)
    %add3A_311 = arith.constant 25344 : i32
    %add3A_312 = arith.addi %mul3A_2, %add3A_311 : i32
    %dma_start3A_313 = arith.constant 6 : i32
    %dma_start3A_314 = arith.constant 0 : i32
    %dma_start3A_315 = arith.constant 0 : i32
    %dma_start3A_316 = tpu.memref_slice %arg6[%dma_start3A_313, %dma_start3A_314, %dma_start3A_315] : memref<8x128x64xf32, #tpu.memory_space<vmem>> -> memref<1x128x64xf32, #tpu.memory_space<vmem>>
    %dma_start3A_317 = tpu.memref_squeeze %dma_start3A_316 : memref<1x128x64xf32, #tpu.memory_space<vmem>> -> memref<128x64xf32, #tpu.memory_space<vmem>>
    %dma_start3A_318 = arith.constant 0 : i32
    %dma_start3A_319 = tpu.memref_slice %arg4[%add3A_312, %dma_start3A_318] : memref<819200x64xf32, #tpu.memory_space<hbm>> -> memref<128x64xf32, #tpu.memory_space<hbm>>
    %dma_start3A_320 = arith.constant 0 : i32
    %dma_start3A_321 = tpu.memref_slice %arg4[%add3A_312, %dma_start3A_320] : memref<819200x64xf32, #tpu.memory_space<hbm>> -> memref<128x64xf32, #tpu.memory_space<hbm>>
    %dma_start3A_322 = arith.constant 0 : i32
    %dma_start3A_323 = arith.constant 0 : i32
    %dma_start3A_324 = tpu.memref_slice %arg6[%dma_start3A_313, %dma_start3A_322, %dma_start3A_323] : memref<8x128x64xf32, #tpu.memory_space<vmem>> -> memref<1x128x64xf32, #tpu.memory_space<vmem>>
    %dma_start3A_325 = tpu.memref_squeeze %dma_start3A_324 : memref<1x128x64xf32, #tpu.memory_space<vmem>> -> memref<128x64xf32, #tpu.memory_space<vmem>>
    tpu.enqueue_dma source(%dma_start3A_325 : memref<128x64xf32, #tpu.memory_space<vmem>>) target(%dma_start3A_321 : memref<128x64xf32, #tpu.memory_space<hbm>>) target_semaphore(%arg8 : memref<!tpu.dma_semaphore, #tpu.memory_space<semaphore_mem>>)
    %dma_wait3A_326 = arith.constant 2 : i32
    %dma_wait3A_327 = arith.constant 0 : i32
    %dma_wait3A_328 = arith.constant 0 : i32
    %dma_wait3A_329 = tpu.memref_slice %arg6[%dma_wait3A_326, %dma_wait3A_327, %dma_wait3A_328] : memref<8x128x64xf32, #tpu.memory_space<vmem>> -> memref<1x128x64xf32, #tpu.memory_space<vmem>>
    %dma_wait3A_330 = tpu.memref_squeeze %dma_wait3A_329 : memref<1x128x64xf32, #tpu.memory_space<vmem>> -> memref<128x64xf32, #tpu.memory_space<vmem>>
    %dma_wait3A_331 = arith.constant 0 : i32
    %dma_wait3A_332 = arith.constant 0 : i32
    %dma_wait3A_333 = tpu.memref_slice %arg4[%dma_wait3A_331, %dma_wait3A_332] : memref<819200x64xf32, #tpu.memory_space<hbm>> -> memref<128x64xf32, #tpu.memory_space<hbm>>
    %dma_wait3A_334 = arith.constant 0 : i32
    %dma_wait3A_335 = arith.constant 0 : i32
    %dma_wait3A_336 = tpu.memref_slice %arg4[%dma_wait3A_334, %dma_wait3A_335] : memref<819200x64xf32, #tpu.memory_space<hbm>> -> memref<128x64xf32, #tpu.memory_space<hbm>>
    %dma_wait3A_337 = arith.constant 0 : i32
    %dma_wait3A_338 = arith.constant 0 : i32
    %dma_wait3A_339 = tpu.memref_slice %arg6[%dma_wait3A_326, %dma_wait3A_337, %dma_wait3A_338] : memref<8x128x64xf32, #tpu.memory_space<vmem>> -> memref<1x128x64xf32, #tpu.memory_space<vmem>>
    %dma_wait3A_340 = tpu.memref_squeeze %dma_wait3A_339 : memref<1x128x64xf32, #tpu.memory_space<vmem>> -> memref<128x64xf32, #tpu.memory_space<vmem>>
    tpu.wait_dma2 semaphore(%arg8 : memref<!tpu.dma_semaphore, #tpu.memory_space<semaphore_mem>>) src(%dma_wait3A_340 : memref<128x64xf32, #tpu.memory_space<vmem>>) dst(%dma_wait3A_336 : memref<128x64xf32, #tpu.memory_space<hbm>>)
    %dma_wait3A_341 = arith.constant 7 : i32
    %dma_wait3A_342 = arith.constant 0 : i32
    %dma_wait3A_343 = arith.constant 0 : i32
    %dma_wait3A_344 = tpu.memref_slice %arg6[%dma_wait3A_341, %dma_wait3A_342, %dma_wait3A_343] : memref<8x128x64xf32, #tpu.memory_space<vmem>> -> memref<1x128x64xf32, #tpu.memory_space<vmem>>
    %dma_wait3A_345 = tpu.memref_squeeze %dma_wait3A_344 : memref<1x128x64xf32, #tpu.memory_space<vmem>> -> memref<128x64xf32, #tpu.memory_space<vmem>>
    %dma_wait3A_346 = arith.constant 0 : i32
    %dma_wait3A_347 = arith.constant 0 : i32
    %dma_wait3A_348 = tpu.memref_slice %arg3[%dma_wait3A_346, %dma_wait3A_347] : memref<1000000x64xf32, #tpu.memory_space<hbm>> -> memref<128x64xf32, #tpu.memory_space<hbm>>
    %dma_wait3A_349 = arith.constant 0 : i32
    %dma_wait3A_350 = arith.constant 0 : i32
    %dma_wait3A_351 = tpu.memref_slice %arg6[%dma_wait3A_341, %dma_wait3A_349, %dma_wait3A_350] : memref<8x128x64xf32, #tpu.memory_space<vmem>> -> memref<1x128x64xf32, #tpu.memory_space<vmem>>
    %dma_wait3A_352 = tpu.memref_squeeze %dma_wait3A_351 : memref<1x128x64xf32, #tpu.memory_space<vmem>> -> memref<128x64xf32, #tpu.memory_space<vmem>>
    %dma_wait3A_353 = arith.constant 0 : i32
    %dma_wait3A_354 = arith.constant 0 : i32
    %dma_wait3A_355 = tpu.memref_slice %arg3[%dma_wait3A_353, %dma_wait3A_354] : memref<1000000x64xf32, #tpu.memory_space<hbm>> -> memref<128x64xf32, #tpu.memory_space<hbm>>
    tpu.wait_dma2 semaphore(%arg7 : memref<!tpu.dma_semaphore, #tpu.memory_space<semaphore_mem>>) src(%dma_wait3A_355 : memref<128x64xf32, #tpu.memory_space<hbm>>) dst(%dma_wait3A_352 : memref<128x64xf32, #tpu.memory_space<vmem>>)
    %add3A_356 = arith.constant 25472 : i32
    %add3A_357 = arith.addi %mul3A_2, %add3A_356 : i32
    %dma_start3A_358 = arith.constant 7 : i32
    %dma_start3A_359 = arith.constant 0 : i32
    %dma_start3A_360 = arith.constant 0 : i32
    %dma_start3A_361 = tpu.memref_slice %arg6[%dma_start3A_358, %dma_start3A_359, %dma_start3A_360] : memref<8x128x64xf32, #tpu.memory_space<vmem>> -> memref<1x128x64xf32, #tpu.memory_space<vmem>>
    %dma_start3A_362 = tpu.memref_squeeze %dma_start3A_361 : memref<1x128x64xf32, #tpu.memory_space<vmem>> -> memref<128x64xf32, #tpu.memory_space<vmem>>
    %dma_start3A_363 = arith.constant 0 : i32
    %dma_start3A_364 = tpu.memref_slice %arg4[%add3A_357, %dma_start3A_363] : memref<819200x64xf32, #tpu.memory_space<hbm>> -> memref<128x64xf32, #tpu.memory_space<hbm>>
    %dma_start3A_365 = arith.constant 0 : i32
    %dma_start3A_366 = tpu.memref_slice %arg4[%add3A_357, %dma_start3A_365] : memref<819200x64xf32, #tpu.memory_space<hbm>> -> memref<128x64xf32, #tpu.memory_space<hbm>>
    %dma_start3A_367 = arith.constant 0 : i32
    %dma_start3A_368 = arith.constant 0 : i32
    %dma_start3A_369 = tpu.memref_slice %arg6[%dma_start3A_358, %dma_start3A_367, %dma_start3A_368] : memref<8x128x64xf32, #tpu.memory_space<vmem>> -> memref<1x128x64xf32, #tpu.memory_space<vmem>>
    %dma_start3A_370 = tpu.memref_squeeze %dma_start3A_369 : memref<1x128x64xf32, #tpu.memory_space<vmem>> -> memref<128x64xf32, #tpu.memory_space<vmem>>
    tpu.enqueue_dma source(%dma_start3A_370 : memref<128x64xf32, #tpu.memory_space<vmem>>) target(%dma_start3A_366 : memref<128x64xf32, #tpu.memory_space<hbm>>) target_semaphore(%arg8 : memref<!tpu.dma_semaphore, #tpu.memory_space<semaphore_mem>>)
    %dma_wait3A_371 = arith.constant 3 : i32
    %dma_wait3A_372 = arith.constant 0 : i32
    %dma_wait3A_373 = arith.constant 0 : i32
    %dma_wait3A_374 = tpu.memref_slice %arg6[%dma_wait3A_371, %dma_wait3A_372, %dma_wait3A_373] : memref<8x128x64xf32, #tpu.memory_space<vmem>> -> memref<1x128x64xf32, #tpu.memory_space<vmem>>
    %dma_wait3A_375 = tpu.memref_squeeze %dma_wait3A_374 : memref<1x128x64xf32, #tpu.memory_space<vmem>> -> memref<128x64xf32, #tpu.memory_space<vmem>>
    %dma_wait3A_376 = arith.constant 0 : i32
    %dma_wait3A_377 = arith.constant 0 : i32
    %dma_wait3A_378 = tpu.memref_slice %arg4[%dma_wait3A_376, %dma_wait3A_377] : memref<819200x64xf32, #tpu.memory_space<hbm>> -> memref<128x64xf32, #tpu.memory_space<hbm>>
    %dma_wait3A_379 = arith.constant 0 : i32
    %dma_wait3A_380 = arith.constant 0 : i32
    %dma_wait3A_381 = tpu.memref_slice %arg4[%dma_wait3A_379, %dma_wait3A_380] : memref<819200x64xf32, #tpu.memory_space<hbm>> -> memref<128x64xf32, #tpu.memory_space<hbm>>
    %dma_wait3A_382 = arith.constant 0 : i32
    %dma_wait3A_383 = arith.constant 0 : i32
    %dma_wait3A_384 = tpu.memref_slice %arg6[%dma_wait3A_371, %dma_wait3A_382, %dma_wait3A_383] : memref<8x128x64xf32, #tpu.memory_space<vmem>> -> memref<1x128x64xf32, #tpu.memory_space<vmem>>
    %dma_wait3A_385 = tpu.memref_squeeze %dma_wait3A_384 : memref<1x128x64xf32, #tpu.memory_space<vmem>> -> memref<128x64xf32, #tpu.memory_space<vmem>>
    tpu.wait_dma2 semaphore(%arg8 : memref<!tpu.dma_semaphore, #tpu.memory_space<semaphore_mem>>) src(%dma_wait3A_385 : memref<128x64xf32, #tpu.memory_space<vmem>>) dst(%dma_wait3A_381 : memref<128x64xf32, #tpu.memory_space<hbm>>)
    %dma_wait3A_386 = arith.constant 4 : i32
    %dma_wait3A_387 = arith.constant 0 : i32
    %dma_wait3A_388 = arith.constant 0 : i32
    %dma_wait3A_389 = tpu.memref_slice %arg6[%dma_wait3A_386, %dma_wait3A_387, %dma_wait3A_388] : memref<8x128x64xf32, #tpu.memory_space<vmem>> -> memref<1x128x64xf32, #tpu.memory_space<vmem>>
    %dma_wait3A_390 = tpu.memref_squeeze %dma_wait3A_389 : memref<1x128x64xf32, #tpu.memory_space<vmem>> -> memref<128x64xf32, #tpu.memory_space<vmem>>
    %dma_wait3A_391 = arith.constant 0 : i32
    %dma_wait3A_392 = arith.constant 0 : i32
    %dma_wait3A_393 = tpu.memref_slice %arg4[%dma_wait3A_391, %dma_wait3A_392] : memref<819200x64xf32, #tpu.memory_space<hbm>> -> memref<128x64xf32, #tpu.memory_space<hbm>>
    %dma_wait3A_394 = arith.constant 0 : i32
    %dma_wait3A_395 = arith.constant 0 : i32
    %dma_wait3A_396 = tpu.memref_slice %arg4[%dma_wait3A_394, %dma_wait3A_395] : memref<819200x64xf32, #tpu.memory_space<hbm>> -> memref<128x64xf32, #tpu.memory_space<hbm>>
    %dma_wait3A_397 = arith.constant 0 : i32
    %dma_wait3A_398 = arith.constant 0 : i32
    %dma_wait3A_399 = tpu.memref_slice %arg6[%dma_wait3A_386, %dma_wait3A_397, %dma_wait3A_398] : memref<8x128x64xf32, #tpu.memory_space<vmem>> -> memref<1x128x64xf32, #tpu.memory_space<vmem>>
    %dma_wait3A_400 = tpu.memref_squeeze %dma_wait3A_399 : memref<1x128x64xf32, #tpu.memory_space<vmem>> -> memref<128x64xf32, #tpu.memory_space<vmem>>
    tpu.wait_dma2 semaphore(%arg8 : memref<!tpu.dma_semaphore, #tpu.memory_space<semaphore_mem>>) src(%dma_wait3A_400 : memref<128x64xf32, #tpu.memory_space<vmem>>) dst(%dma_wait3A_396 : memref<128x64xf32, #tpu.memory_space<hbm>>)
    %dma_wait3A_401 = arith.constant 5 : i32
    %dma_wait3A_402 = arith.constant 0 : i32
    %dma_wait3A_403 = arith.constant 0 : i32
    %dma_wait3A_404 = tpu.memref_slice %arg6[%dma_wait3A_401, %dma_wait3A_402, %dma_wait3A_403] : memref<8x128x64xf32, #tpu.memory_space<vmem>> -> memref<1x128x64xf32, #tpu.memory_space<vmem>>
    %dma_wait3A_405 = tpu.memref_squeeze %dma_wait3A_404 : memref<1x128x64xf32, #tpu.memory_space<vmem>> -> memref<128x64xf32, #tpu.memory_space<vmem>>
    %dma_wait3A_406 = arith.constant 0 : i32
    %dma_wait3A_407 = arith.constant 0 : i32
    %dma_wait3A_408 = tpu.memref_slice %arg4[%dma_wait3A_406, %dma_wait3A_407] : memref<819200x64xf32, #tpu.memory_space<hbm>> -> memref<128x64xf32, #tpu.memory_space<hbm>>
    %dma_wait3A_409 = arith.constant 0 : i32
    %dma_wait3A_410 = arith.constant 0 : i32
    %dma_wait3A_411 = tpu.memref_slice %arg4[%dma_wait3A_409, %dma_wait3A_410] : memref<819200x64xf32, #tpu.memory_space<hbm>> -> memref<128x64xf32, #tpu.memory_space<hbm>>
    %dma_wait3A_412 = arith.constant 0 : i32
    %dma_wait3A_413 = arith.constant 0 : i32
    %dma_wait3A_414 = tpu.memref_slice %arg6[%dma_wait3A_401, %dma_wait3A_412, %dma_wait3A_413] : memref<8x128x64xf32, #tpu.memory_space<vmem>> -> memref<1x128x64xf32, #tpu.memory_space<vmem>>
    %dma_wait3A_415 = tpu.memref_squeeze %dma_wait3A_414 : memref<1x128x64xf32, #tpu.memory_space<vmem>> -> memref<128x64xf32, #tpu.memory_space<vmem>>
    tpu.wait_dma2 semaphore(%arg8 : memref<!tpu.dma_semaphore, #tpu.memory_space<semaphore_mem>>) src(%dma_wait3A_415 : memref<128x64xf32, #tpu.memory_space<vmem>>) dst(%dma_wait3A_411 : memref<128x64xf32, #tpu.memory_space<hbm>>)
    %dma_wait3A_416 = arith.constant 6 : i32
    %dma_wait3A_417 = arith.constant 0 : i32
    %dma_wait3A_418 = arith.constant 0 : i32
    %dma_wait3A_419 = tpu.memref_slice %arg6[%dma_wait3A_416, %dma_wait3A_417, %dma_wait3A_418] : memref<8x128x64xf32, #tpu.memory_space<vmem>> -> memref<1x128x64xf32, #tpu.memory_space<vmem>>
    %dma_wait3A_420 = tpu.memref_squeeze %dma_wait3A_419 : memref<1x128x64xf32, #tpu.memory_space<vmem>> -> memref<128x64xf32, #tpu.memory_space<vmem>>
    %dma_wait3A_421 = arith.constant 0 : i32
    %dma_wait3A_422 = arith.constant 0 : i32
    %dma_wait3A_423 = tpu.memref_slice %arg4[%dma_wait3A_421, %dma_wait3A_422] : memref<819200x64xf32, #tpu.memory_space<hbm>> -> memref<128x64xf32, #tpu.memory_space<hbm>>
    %dma_wait3A_424 = arith.constant 0 : i32
    %dma_wait3A_425 = arith.constant 0 : i32
    %dma_wait3A_426 = tpu.memref_slice %arg4[%dma_wait3A_424, %dma_wait3A_425] : memref<819200x64xf32, #tpu.memory_space<hbm>> -> memref<128x64xf32, #tpu.memory_space<hbm>>
    %dma_wait3A_427 = arith.constant 0 : i32
    %dma_wait3A_428 = arith.constant 0 : i32
    %dma_wait3A_429 = tpu.memref_slice %arg6[%dma_wait3A_416, %dma_wait3A_427, %dma_wait3A_428] : memref<8x128x64xf32, #tpu.memory_space<vmem>> -> memref<1x128x64xf32, #tpu.memory_space<vmem>>
    %dma_wait3A_430 = tpu.memref_squeeze %dma_wait3A_429 : memref<1x128x64xf32, #tpu.memory_space<vmem>> -> memref<128x64xf32, #tpu.memory_space<vmem>>
    tpu.wait_dma2 semaphore(%arg8 : memref<!tpu.dma_semaphore, #tpu.memory_space<semaphore_mem>>) src(%dma_wait3A_430 : memref<128x64xf32, #tpu.memory_space<vmem>>) dst(%dma_wait3A_426 : memref<128x64xf32, #tpu.memory_space<hbm>>)
    %dma_wait3A_431 = arith.constant 7 : i32
    %dma_wait3A_432 = arith.constant 0 : i32
    %dma_wait3A_433 = arith.constant 0 : i32
    %dma_wait3A_434 = tpu.memref_slice %arg6[%dma_wait3A_431, %dma_wait3A_432, %dma_wait3A_433] : memref<8x128x64xf32, #tpu.memory_space<vmem>> -> memref<1x128x64xf32, #tpu.memory_space<vmem>>
    %dma_wait3A_435 = tpu.memref_squeeze %dma_wait3A_434 : memref<1x128x64xf32, #tpu.memory_space<vmem>> -> memref<128x64xf32, #tpu.memory_space<vmem>>
    %dma_wait3A_436 = arith.constant 0 : i32
    %dma_wait3A_437 = arith.constant 0 : i32
    %dma_wait3A_438 = tpu.memref_slice %arg4[%dma_wait3A_436, %dma_wait3A_437] : memref<819200x64xf32, #tpu.memory_space<hbm>> -> memref<128x64xf32, #tpu.memory_space<hbm>>
    %dma_wait3A_439 = arith.constant 0 : i32
    %dma_wait3A_440 = arith.constant 0 : i32
    %dma_wait3A_441 = tpu.memref_slice %arg4[%dma_wait3A_439, %dma_wait3A_440] : memref<819200x64xf32, #tpu.memory_space<hbm>> -> memref<128x64xf32, #tpu.memory_space<hbm>>
    %dma_wait3A_442 = arith.constant 0 : i32
    %dma_wait3A_443 = arith.constant 0 : i32
    %dma_wait3A_444 = tpu.memref_slice %arg6[%dma_wait3A_431, %dma_wait3A_442, %dma_wait3A_443] : memref<8x128x64xf32, #tpu.memory_space<vmem>> -> memref<1x128x64xf32, #tpu.memory_space<vmem>>
    %dma_wait3A_445 = tpu.memref_squeeze %dma_wait3A_444 : memref<1x128x64xf32, #tpu.memory_space<vmem>> -> memref<128x64xf32, #tpu.memory_space<vmem>>
    tpu.wait_dma2 semaphore(%arg8 : memref<!tpu.dma_semaphore, #tpu.memory_space<semaphore_mem>>) src(%dma_wait3A_445 : memref<128x64xf32, #tpu.memory_space<vmem>>) dst(%dma_wait3A_441 : memref<128x64xf32, #tpu.memory_space<hbm>>)
    return
  }
}

</mosaic_0001>

<sc_bundles>
// kernel: kernel.3.cloned.1.call-start
scs
__scs_entry_jumppad:
0x0: {  	(pc) =	sbr.rel $0x88, $3  }
0x1: {  	(tag) =	ssettag $0x0;
	lr =	simm.s32 $0x1  }
0x2: {  	[smem:$0x3F9F] =	sst lr;
	_ =	strace $0xD0000000  }
0x3: {  	_ = 	snop  }
0x4: {  	_ = 	snop  }
0x5: {  	_ = 	snop  }
0x6: {  	_ = 	snop  }
0x7: {  	_ = 	snop  }
__scs_overlays_trampoline_lowered:
0x8: {  	[smem:$0x3FAE] =	sst s0  }
0x9: {  	[smem:$0x3FAF] =	sst s1  }
0xa: {  	[smem:$0x3FB0] =	sst s2  }
0xb: {  	[smem:$0x3FB1] =	sst s3  }
0xc: {  	[smem:$0x3FB2] =	sst s4  }
0xd: {  	[smem:$0x3FB3] =	sst s5  }
0xe: {  	[smem:$0x3FB4] =	sst s6  }
0xf: {  	[smem:$0x3FB5] =	sst s7  }
0x10: {  	[smem:$0x3FB6] =	sst s8  }
0x11: {  	[smem:$0x3FB7] =	sst s9;
	s0 =	simm.s32 @!p0 $0x0  }
0x12: {  	s1 =	sld [smem:$0x3F9D];
	s0 =	simm.s32 @p0 $0x1  }
0x13: {  	[smem:$0x3FB8] =	sst s0;
	s0 =	simm.s32 @!p1 $0x0  }
0x14: {  	s2 =	sld [smem:$0x3F9C];
	s0 =	simm.s32 @p1 $0x1  }
0x15: {  	[smem:$0x3FB9] =	sst s0;
	s0 =	simm.s32 @!p2 $0x0  }
0x16: {  	s3 =	sld [smem:$0x3FDB];
	s0 =	simm.s32 @p2 $0x1  }
0x17: {  	s4 =	simm.s32 $0x1BF5;
	[smem:$0x3FBB] =	sst s0  }
0x18: {  	s0 =	sld [smem:$0x3F9E];
	_ =	swait.ge [sflag:s4], $0x0  }
0x19: {  	s7 =	sld [smem:$0x3F9F]  }
0x1a: {  	s8 =	sadd.s32 $0xFFFFE003, lr  }
0x1b: {  	s9 =	sadd.s32 $0xFFFFFEF7, lr;
	s5 =	simm.s32 $0xFFFFFFFF;
	p2 =	slt.u32 s8, $0xFFFFF086  }
0x1c: {  	p1 =	slt.u32 s9, $0xF7A;
	s5 =	simm.s32 @!p2 $0x0  }
0x1d: {  	s5 =	simm.s32 @p1 $0x1;
	p0 =	seq.s32 s7, s2  }
0x1e: {  	s7 =	smul.u32 @!p0 $0xF7A, s2;
	p2 =	seq.s32 @!p0 s5, $0x0  }
0x1f: {  	s9 =	smul.u32 $0xF7A, s1;
	s8 =	simm.s32 @!p0 $0x1BF5;
	p2 =	por !p2, p0  }
0x20: {  	[sflag:s8] =	ssyncset.s32 @!p0 $0xFFFFF086;
	s6 =	sadd.s32 @!p0 s3, s7;
	s7 =	simm.s32 @!p0 $0x108  }
0x21: {  	s3 =	sadd.s32 s3, s9;
	s6 =	sadd.s32 @!p0 $0x88, s6;
	s7 =	simm.s32 @p2 $0x1082  }
0x22: {  	[simem:s7], [sflag:s8] =	dma.local @!p0 [hbm:s6], $0xF7A  }
0x23: {  	s9 =	sor.u32 $0xD0000000, s2;
	s6 =	simm.s32 $0x108;
	_ =	swait.ge @!p0 [sflag:s8], $0x0  }
0x24: {  	s3 =	sadd.s32 $0x88, s3;
	s6 =	simm.s32 @!p1 $0x1082;
	[sflag:s4] =	ssyncset.s32 $0xFFFFF086  }
0x25: {  	[simem:s6], [sflag:s4] =	dma.local [hbm:s3], $0xF7A  }
0x26: {  	[smem:$0x3F9F] =	sst s1;
	(tag) =	ssettag s2;
	_ =	strace s9  }
0x27: {  	s1 =	sld [smem:$0x3FAF]  }
0x28: {  	s2 =	sld [smem:$0x3FB0]  }
0x29: {  	s4 =	sld [smem:$0x3FB2]  }
0x2a: {  	p0 =	seq.s32 s5, $0x0;
	s5 =	sld [smem:$0x3FB3]  }
0x2b: {  	s6 =	sld [smem:$0x3FB4]  }
0x2c: {  	s7 =	sld [smem:$0x3FB5]  }
0x2d: {  	s3 =	simm.s32 $0x108;
	s8 =	sld [smem:$0x3FB6]  }
0x2e: {  	s3 =	simm.s32 @!p0 $0x1082;
	s9 =	sld [smem:$0x3FB7]  }
0x2f: {  	lr =	sadd.s32 s0, s3;
	s0 =	sld [smem:$0x3FAE]  }
0x30: {  	s3 =	sld [smem:$0x3FB1]  }
0x31: {  	[smem:$0x3FBA] =	sst s10  }
0x32: {  	s10 =	sld [smem:$0x3FB8];
	_ =	sdelay $0x3  }
0x33: {  	p0 =	seq.s32 s10, $0x1;
	s10 =	sld [smem:$0x3FBA];
	_ =	sdelay $0x3  }
0x34: {  	[smem:$0x3FBA] =	sst s10  }
0x35: {  	s10 =	sld [smem:$0x3FB9];
	_ =	sdelay $0x3  }
0x36: {  	p1 =	seq.s32 s10, $0x1;
	s10 =	sld [smem:$0x3FBA];
	_ =	sdelay $0x3  }
0x37: {  	[smem:$0x3FBA] =	sst s10  }
0x38: {  	s10 =	sld [smem:$0x3FBB]  }
0x39: {  	_ = 	snop;
	(pc) =	sbr.ind lr, $3  }
0x3a: {  	_ = 	snop  }
0x3b: {  	_ = 	snop  }
0x3c: {  	p2 =	seq.s32 s10, $0x1;
	s10 =	sld [smem:$0x3FBA]  }
0x3d: {  	_ =	shalt  }
0x3e: {  	_ =	shalt  }
0x3f: {  	_ =	shalt  }
0x40: {  	_ =	shalt  }
0x41: {  	_ =	shalt  }
0x42: {  	_ =	shalt  }
0x43: {  	_ =	shalt  }
0x44: {  	_ =	shalt  }
0x45: {  	_ =	shalt  }
0x46: {  	_ =	shalt  }
0x47: {  	_ =	shalt  }
0x48: {  	_ =	shalt  }
0x49: {  	_ =	shalt  }
0x4a: {  	_ =	shalt  }
0x4b: {  	_ =	shalt  }
0x4c: {  	_ =	shalt  }
0x4d: {  	_ =	shalt  }
0x4e: {  	_ =	shalt  }
0x4f: {  	_ =	shalt  }
0x50: {  	_ =	shalt  }
0x51: {  	_ =	shalt  }
0x52: {  	_ =	shalt  }
0x53: {  	_ =	shalt  }
0x54: {  	_ =	shalt  }
0x55: {  	_ =	shalt  }
0x56: {  	_ =	shalt  }
0x57: {  	_ =	shalt  }
0x58: {  	_ =	shalt  }
0x59: {  	_ =	shalt  }
0x5a: {  	_ =	shalt  }
0x5b: {  	_ =	shalt  }
0x5c: {  	_ =	shalt  }
0x5d: {  	_ =	shalt  }
0x5e: {  	_ =	shalt  }
0x5f: {  	_ =	shalt  }
0x60: {  	_ =	shalt  }
0x61: {  	_ =	shalt  }
0x62: {  	_ =	shalt  }
0x63: {  	_ =	shalt  }
0x64: {  	_ =	shalt  }
0x65: {  	_ =	shalt  }
0x66: {  	_ =	shalt  }
0x67: {  	_ =	shalt  }
0x68: {  	_ =	shalt  }
0x69: {  	_ =	shalt  }
0x6a: {  	_ =	shalt  }
0x6b: {  	_ =	shalt  }
0x6c: {  	_ =	shalt  }
0x6d: {  	_ =	shalt  }
0x6e: {  	_ =	shalt  }
0x6f: {  	_ =	shalt  }
0x70: {  	_ =	shalt  }
0x71: {  	_ =	shalt  }
0x72: {  	_ =	shalt  }
0x73: {  	_ =	shalt  }
0x74: {  	_ =	shalt  }
0x75: {  	_ =	shalt  }
0x76: {  	_ =	shalt  }
0x77: {  	_ =	shalt  }
0x78: {  	_ =	shalt  }
0x79: {  	_ =	shalt  }
0x7a: {  	_ =	shalt  }
0x7b: {  	_ =	shalt  }
0x7c: {  	_ =	shalt  }
0x7d: {  	_ =	shalt  }
0x7e: {  	_ =	shalt  }
0x7f: {  	_ =	shalt  }
0x80: {  	_ =	shalt  }
0x81: {  	_ =	shalt  }
0x82: {  	_ =	shalt  }
0x83: {  	_ =	shalt  }
0x84: {  	_ =	shalt  }
0x85: {  	_ =	shalt  }
0x86: {  	_ =	shalt  }
0x87: {  	_ =	shalt  }
.Lfunc_end0:
.L_simem_size_0:
called_computation.1_lowered:
.L_overlay_start_0:
0x88: {  	s2 =	sld [smem:$0x3FD9]  }
0x89: {  	s3 =	sld [smem:$0x3FFE];
	_ =	sdelay $0x1  }
0x8a: {  	s1 =	srdreg.scid  }
0x8b: {  	s0 =	sand.u32 $0x1, s1  }
0x8c: {  	s17 =	sshll.u32 s0, $0xA;
	s2 =	sadd.s32 s3, s2  }
0x8d: {  	s2 =	sadd.s32 s2, s17  }
0x8e: {  	[smem:$0x3FC6] =	sst s2  }
0x8f: {  	_ = 	snop  }
0x90: {  	s2 =	sld [smem:$0x3FD0];
	(tm) =	ssettm $0x1  }
0x91: {  	s18 =	sld [smem:$0x3FFB];
	_ =	sdelay $0x3  }
0x92: {  	_ =	strace s18  }
0x93: {  	s3 =	sld [smem:$0x3FFC];
	_ =	sdelay $0x3  }
0x94: {  	_ =	strace s3  }
0x95: {  	s3 =	sld [smem:$0x3FFD];
	_ =	sdelay $0x3  }
0x96: {  	_ =	strace s3  }
0x97: {  	_ =	strace $0x8FFFFFFF  }
0x98: {  	s19 =	sld [smem:$0x3FDB];
	_ =	sdelay $0x1  }
0x99: {  	s4 =	simm.s32 $_scs_section_size  }
0x9a: {  	s5 =	simm.s32 $_size__tile_overlayer_lowered;
	s6 =	simm.s32 $_tile_overlayer_lowered  }
0x9b: {  	s22 =	simm.s32 $0x1BFF;
	s21 =	sshll.u32 s6, $0x1;
	s3 =	sadd.s32 s4, s19  }
0x9c: {  	s7 =	simm.s32 $0x0;
	s20 =	sshll.u32 s5, $0x1;
	s5 =	sadd.s32 s21, s3  }
0x9d: {  	[timem:s7], [sflag:s22] =	dma.local [hbm:s5], s20  }
0x9e: {  	_ =	swait.ge [sflag:s22], s20  }
0x9f: {  	s4 =	ssub.s32 $0x0, s20;
	[sflag:s22] =	ssyncset.done $0x0  }
0xa0: {  	[sflag:s22] =	ssyncadd.s32 s4;
	_ =	sdelay $0x1  }
0xa1: {  	s23 =	simm.s32 $0x1B8B  }
0xa2: {  	_ =	swait.ge [sflag:s23], $0x1  }
0xa3: {  	[sflag:s23] =	ssyncset.done $0x0  }
0xa4: {  	s25 =	simm.s32 $0x1B8E;
	s24 =	sld [smem:$0x3FFE];
	[sflag:s23] =	ssyncadd.s32 $0xFFFFFFFF  }
0xa5: {  	s26 =	simm.s32 $execute0_lowered;
	[smem:$0x3FD2] =	sst s25  }
0xa6: {  	s5 =	sshll.u32 s26, $0x1;
	_ =	strace $0x80000046;
	[dreg:$0x1] =	wrdreg $0xFFFFFFFF  }
0xa7: {  	s28 =	simm.s32 $_size_execute0_lowered;
	s3 =	sadd.s32 s3, s5;
	[dreg:$0x0] =	wrdreg $0x0  }
0xa8: {  	s5 =	sshll.u32 s28, $0x1;
	[dreg:$0x2] =	wrdreg s3  }
0xa9: {  	[dreg:$0x3] =	wrdreg s5  }
0xaa: {  	[dreg:$0x4] =	wrdreg $0xC0  }
0xab: {  	_ =	task [dreg:s7], $0x5FFFF  }
0xac: {  	[dreg:$0x1] =	wrdreg $0xFFFFFFFF  }
0xad: {  	[dreg:$0x0] =	wrdreg $0x60  }
0xae: {  	[dreg:$0x2] =	wrdreg s24  }
0xaf: {  	[dreg:$0x3] =	wrdreg s2  }
0xb0: {  	[dreg:$0x4] =	wrdreg $0x9  }
0xb1: {  	_ =	task.clear_ibuf [dreg:s7], $0x5FFFF;
	_ =	strace $0x90000046  }
0xb2: {  	s29 =	simm.s32 $0x9;
	_ =	strace $0x80000048  }
0xb3: {  	_ =	swait.ge [sflag:s29], $0x1  }
0xb4: {  	[sflag:s29] =	ssyncadd.s32 $0xFFFFFFFF  }
0xb5: {  	_ =	strace $0x90000048  }
0xb6: {  	_ =	sfence  }
0xb7: {  	s30 =	sld [smem:$0x0];
	_ =	sdelay $0x2  }
0xb8: {  	s31 =	sshll.u32 s1, $0xD;
	s1 =	sshrl.u32 s1, $0x2  }
0xb9: {  	s3 =	sand.u32 $0x4000, s31;
	s1 =	sadd.s32 s1, s30  }
0xba: {  	s0 =	sor.u32 s3, s0;
	s1 =	sshll.u32 s1, $0x11  }
0xbb: {  	s0 =	sor.u32 s1, s0  }
0xbc: {  	s0 =	sadd.s32 $0x8F2B, s0  }
0xbd: {  	[sflag:s0] =	ssyncadd.remote.s32 $0x1  }
0xbe: {  	_ =	sfence.sel $0xFFFF  }
0xbf: {  	[dreg:$0x0] =	wrdreg $0xFFFFFFFF;
	(pc) =	sbr.abs _section_cstart, $3  }
0xc0: {  	[dreg:$0x1] =	wrdreg $0xFFFFFFFF  }
0xc1: {  	_ =	task.clear_ibuf [dreg:s7], $0x2FFFF;
	_ =	strace $0x9FFFFFFF  }
0xc2: {  	(tm) =	ssettm $0x7FFFFFFF  }
0xc3: {  	_ =	shalt  }
tec
execute0_lowered:
.L_overlay_start_1:
0x0: {  	(tag) =	ssettag $0x1  }
0x1: {  	s0 =	srdreg.scid;
	s1 =	rddreg [dreg:$0x0]  }
0x2: {  	s6 =	stileid.u32;
	s2 =	rddreg [dreg:$0x1];
	s15 =	simm.s32 $0x3  }
0x3: {  	s16 =	simm.s32 $0x80;
	s17 =	simm.s32 $0x6400;
	s18 =	simm.s32 $0x8400  }
0x4: {  	s20 =	simm.s32 $0xA400;
	s22 =	simm.s32 $0xC400;
	s28 =	simm.s32 $0x10400  }
0x5: {  	s0 =	sand.u32 $0x1, s0;
	s3 =	sshll.u32 s6, $0x1;
	s6 =	smul.u32 $0xC800, s6  }
0x6: {  	s9 =	sor.u32 s0, s3;
	s7 =	ssub.s32 $0x2, s0;
	s0 =	smul.u32 $0x6400, s0  }
0x7: {  	s30 =	simm.s32 $0x12400;
	s31 =	simm.s32 $0x380;
	s4 =	smul.u32 $0x6400, s9  }
0x8: {  	s19 =	simm.s32 $0x0;
	s3 =	simm.s32 $0x0;
	s5 =	smul.u32 $0x32000, s9  }
0x9: {  	[smem:$0x7FF] =	sst s3;
	s23 =	sshrl.u32 s7, $0x1;
	s10 =	smul.u32 $0x190000, s9  }
0xa: {  	_ =	strace $0x80000047;
	s0 =	sadd.s32 s0, s6;
	s4 =	sshrl.u32 s4, $0x3  }
0xb: {  	s5 =	sadd.s32 s2, s5;
	s0 =	sshll.u32 s0, $0x3;
	s10 =	sshrl.u32 s10, $0x3  }
0xc: {  	s8 =	sadd.s32 s4, s1;
	s4 =	sadd.s32 $0xF42E00, s1;
	s1 =	ssub.s32 s7, s23  }
0xd: {  	s7 =	sadd.s32 $0x400, s5;
	s11 =	sor.u32 $0x1C00, s0;
	s9 =	sadd.s32 $0xC00, s5  }
0xe: {  	s24 =	sor.u32 $0x1800, s0;
	s25 =	sor.u32 $0x1400, s0;
	[dreg:$0x3] =	wrdreg s11  }
0xf: {  	s13 =	sadd.s32 s2, s10;
	s26 =	sor.u32 $0x1000, s0;
	[dreg:$0x4] =	wrdreg s24  }
0x10: {  	s12 =	sadd.s32 $0x2C00, s0;
	s14 =	sadd.s32 $0x2800, s0;
	[dreg:$0x5] =	wrdreg s25  }
0x11: {  	s29 =	sadd.s32 $0x2400, s0;
	s0 =	sadd.s32 $0x2000, s0;
	[dreg:$0x6] =	wrdreg s26  }
0x12: {  	s23 =	simm.s32 $0x1;
	s6 =	sadd.s32 $0xA00, s8;
	[dreg:$0x7] =	wrdreg s12  }
0x13: {  	s8 =	sadd.s32 $0x800, s5;
	s10 =	sadd.s32 $0x31000, s13;
	[dreg:$0x8] =	wrdreg s14  }
0x14: {  	s11 =	sadd.s32 $0x31400, s13;
	s12 =	sadd.s32 $0x31800, s13;
	[dreg:$0x9] =	wrdreg s29  }
0x15: {  	s13 =	sadd.s32 $0x31C00, s13;
	s14 =	smax.u32 s1, $0x1;
	[dreg:$0xa] =	wrdreg s0  }
0x16: {  	s25 =	simm.s32 $0xE400;
	s1 =	simm.s32 $0x14400;
	s0 =	simm.s32 $0x2  }
.LBB2_1:
0x17: {  	[tilespmem:s3], [sflag:$0x3] =	stream.linear.gather [hbm4b:s6+s3], $0x6400, $0x38;
	[tilespmem:$0x16400] =	vst v63  }
0x18: {  	_ =	swait.ge [sflag:s15], $0x6400  }
0x19: {  	[sflag:s15] =	ssyncset.done $0x0  }
0x1a: {  	[sflag:s15] =	ssyncadd.s32 $0xFFFF9C00  }
0x1b: {  	[tilespmem:s17], [sflag:$0x1] =	stream.indirect.gather [hbm4b:s4+s16], $0x40, s3, s16, $0xb8;
	[tilespmem:$0x16400] =	vst v63  }
0x1c: {  	_ = 	snop  }
0x1d: {  	[tilespmem:s18], [sflag:$0x1] =	stream.indirect.gather [hbm4b:s4+s16], $0x40, s16, s16, $0xb8;
	[tilespmem:$0x16400] =	vst v63  }
0x1e: {  	s21 =	simm.s32 $0x100  }
0x1f: {  	[tilespmem:s20], [sflag:$0x1] =	stream.indirect.gather [hbm4b:s4+s16], $0x40, s21, s16, $0xb8;
	[tilespmem:$0x16400] =	vst v63  }
0x20: {  	s29 =	simm.s32 $0x180  }
0x21: {  	[tilespmem:s22], [sflag:$0x1] =	stream.indirect.gather [hbm4b:s4+s16], $0x40, s29, s16, $0xb8;
	[tilespmem:$0x16400] =	vst v63  }
0x22: {  	_ =	swait.ge [sflag:s23], $0x2000  }
0x23: {  	[sflag:s23] =	ssyncset.done $0x0  }
0x24: {  	[sflag:s23] =	ssyncadd.s32 $0xFFFFE000  }
0x25: {  	[hbm4b:s5+s3] =	stream.linear.scatter [tilespmem:s17], [sflag:$0x2], $0x2000, $0x38;
	[tilespmem:$0x16400] =	vst v63  }
0x26: {  	s24 =	simm.s32 $0x200  }
0x27: {  	[tilespmem:s25], [sflag:$0x1] =	stream.indirect.gather [hbm4b:s4+s16], $0x40, s24, s16, $0xb8;
	[tilespmem:$0x16400] =	vst v63  }
0x28: {  	_ =	swait.ge [sflag:s23], $0x2000  }
0x29: {  	[sflag:s23] =	ssyncset.done $0x0  }
0x2a: {  	[sflag:s23] =	ssyncadd.s32 $0xFFFFE000  }
0x2b: {  	[hbm4b:s7+s3] =	stream.linear.scatter [tilespmem:s18], [sflag:$0x2], $0x2000, $0x38;
	[tilespmem:$0x16400] =	vst v63  }
0x2c: {  	s26 =	simm.s32 $0x280  }
0x2d: {  	[tilespmem:s28], [sflag:$0x1] =	stream.indirect.gather [hbm4b:s4+s16], $0x40, s26, s16, $0xb8;
	[tilespmem:$0x16400] =	vst v63  }
0x2e: {  	_ =	swait.ge [sflag:s23], $0x2000  }
0x2f: {  	[sflag:s23] =	ssyncset.done $0x0  }
0x30: {  	[sflag:s23] =	ssyncadd.s32 $0xFFFFE000  }
0x31: {  	[hbm4b:s8+s3] =	stream.linear.scatter [tilespmem:s20], [sflag:$0x2], $0x2000, $0x38;
	[tilespmem:$0x16400] =	vst v63  }
0x32: {  	s29 =	simm.s32 $0x300  }
0x33: {  	[tilespmem:s30], [sflag:$0x1] =	stream.indirect.gather [hbm4b:s4+s16], $0x40, s29, s16, $0xb8;
	[tilespmem:$0x16400] =	vst v63  }
0x34: {  	_ =	swait.ge [sflag:s23], $0x2000  }
0x35: {  	[sflag:s23] =	ssyncset.done $0x0  }
0x36: {  	[sflag:s23] =	ssyncadd.s32 $0xFFFFE000  }
0x37: {  	[hbm4b:s9+s3] =	stream.linear.scatter [tilespmem:s22], [sflag:$0x2], $0x2000, $0x38;
	[tilespmem:$0x16400] =	vst v63  }
0x38: {  	_ = 	snop  }
0x39: {  	[tilespmem:s1], [sflag:$0x1] =	stream.indirect.gather [hbm4b:s4+s16], $0x40, s31, s16, $0xb8;
	[tilespmem:$0x16400] =	vst v63  }
0x3a: {  	_ =	swait.ge [sflag:s23], $0x2000  }
0x3b: {  	s24 =	rddreg [dreg:$0x6];
	[sflag:s23] =	ssyncset.done $0x0  }
0x3c: {  	[sflag:s23] =	ssyncadd.s32 $0xFFFFE000;
	s21 =	sadd.s32 s2, s24  }
0x3d: {  	[hbm4b:s21+s3] =	stream.linear.scatter [tilespmem:s25], [sflag:$0x2], $0x2000, $0x38;
	[tilespmem:$0x16400] =	vst v63  }
0x3e: {  	_ =	swait.ge [sflag:s0], $0x2000  }
0x3f: {  	[sflag:s0] =	ssyncset.done $0x0  }
0x40: {  	s26 =	simm.s32 $0x400;
	[sflag:s0] =	ssyncadd.s32 $0xFFFFE000  }
0x41: {  	[tilespmem:s17], [sflag:$0x1] =	stream.indirect.gather [hbm4b:s4+s16], $0x40, s26, s16, $0xb8;
	[tilespmem:$0x16400] =	vst v63  }
0x42: {  	_ =	swait.ge [sflag:s23], $0x2000  }
0x43: {  	s29 =	rddreg [dreg:$0x5];
	[sflag:s23] =	ssyncset.done $0x0  }
0x44: {  	[sflag:s23] =	ssyncadd.s32 $0xFFFFE000;
	s21 =	sadd.s32 s2, s29  }
0x45: {  	[hbm4b:s21+s3] =	stream.linear.scatter [tilespmem:s28], [sflag:$0x2], $0x2000, $0x38;
	[tilespmem:$0x16400] =	vst v63  }
0x46: {  	_ =	swait.ge [sflag:s0], $0x2000  }
0x47: {  	[sflag:s0] =	ssyncset.done $0x0  }
0x48: {  	s24 =	simm.s32 $0x480;
	[sflag:s0] =	ssyncadd.s32 $0xFFFFE000  }
0x49: {  	[tilespmem:s18], [sflag:$0x1] =	stream.indirect.gather [hbm4b:s4+s16], $0x40, s24, s16, $0xb8;
	[tilespmem:$0x16400] =	vst v63  }
0x4a: {  	_ =	swait.ge [sflag:s23], $0x2000  }
0x4b: {  	s26 =	rddreg [dreg:$0x4];
	[sflag:s23] =	ssyncset.done $0x0  }
0x4c: {  	[sflag:s23] =	ssyncadd.s32 $0xFFFFE000;
	s21 =	sadd.s32 s2, s26  }
0x4d: {  	[hbm4b:s21+s3] =	stream.linear.scatter [tilespmem:s30], [sflag:$0x2], $0x2000, $0x38;
	[tilespmem:$0x16400] =	vst v63  }
0x4e: {  	_ =	swait.ge [sflag:s0], $0x2000  }
0x4f: {  	[sflag:s0] =	ssyncset.done $0x0  }
0x50: {  	s29 =	simm.s32 $0x500;
	[sflag:s0] =	ssyncadd.s32 $0xFFFFE000  }
0x51: {  	[tilespmem:s20], [sflag:$0x1] =	stream.indirect.gather [hbm4b:s4+s16], $0x40, s29, s16, $0xb8;
	[tilespmem:$0x16400] =	vst v63  }
0x52: {  	_ =	swait.ge [sflag:s23], $0x2000  }
0x53: {  	s24 =	rddreg [dreg:$0x3];
	[sflag:s23] =	ssyncset.done $0x0  }
0x54: {  	[sflag:s23] =	ssyncadd.s32 $0xFFFFE000;
	s21 =	sadd.s32 s2, s24  }
0x55: {  	[hbm4b:s21+s3] =	stream.linear.scatter [tilespmem:s1], [sflag:$0x2], $0x2000, $0x38;
	[tilespmem:$0x16400] =	vst v63  }
0x56: {  	_ =	swait.ge [sflag:s0], $0x2000  }
0x57: {  	[sflag:s0] =	ssyncset.done $0x0  }
0x58: {  	s26 =	simm.s32 $0x580;
	[sflag:s0] =	ssyncadd.s32 $0xFFFFE000  }
0x59: {  	[tilespmem:s22], [sflag:$0x1] =	stream.indirect.gather [hbm4b:s4+s16], $0x40, s26, s16, $0xb8;
	[tilespmem:$0x16400] =	vst v63  }
0x5a: {  	_ =	swait.ge [sflag:s23], $0x2000  }
0x5b: {  	s29 =	rddreg [dreg:$0xa];
	[sflag:s23] =	ssyncset.done $0x0  }
0x5c: {  	[sflag:s23] =	ssyncadd.s32 $0xFFFFE000;
	s21 =	sadd.s32 s2, s29  }
0x5d: {  	[hbm4b:s21+s3] =	stream.linear.scatter [tilespmem:s17], [sflag:$0x2], $0x2000, $0x38;
	[tilespmem:$0x16400] =	vst v63  }
0x5e: {  	_ =	swait.ge [sflag:s0], $0x2000  }
0x5f: {  	[sflag:s0] =	ssyncset.done $0x0  }
0x60: {  	s24 =	simm.s32 $0x600;
	[sflag:s0] =	ssyncadd.s32 $0xFFFFE000  }
0x61: {  	[tilespmem:s25], [sflag:$0x1] =	stream.indirect.gather [hbm4b:s4+s16], $0x40, s24, s16, $0xb8;
	[tilespmem:$0x16400] =	vst v63  }
0x62: {  	_ =	swait.ge [sflag:s23], $0x2000  }
0x63: {  	s26 =	rddreg [dreg:$0x9];
	[sflag:s23] =	ssyncset.done $0x0  }
0x64: {  	[sflag:s23] =	ssyncadd.s32 $0xFFFFE000;
	s21 =	sadd.s32 s2, s26  }
0x65: {  	[hbm4b:s21+s3] =	stream.linear.scatter [tilespmem:s18], [sflag:$0x2], $0x2000, $0x38;
	[tilespmem:$0x16400] =	vst v63  }
0x66: {  	_ =	swait.ge [sflag:s0], $0x2000  }
0x67: {  	[sflag:s0] =	ssyncset.done $0x0  }
0x68: {  	s29 =	simm.s32 $0x680;
	[sflag:s0] =	ssyncadd.s32 $0xFFFFE000  }
0x69: {  	[tilespmem:s28], [sflag:$0x1] =	stream.indirect.gather [hbm4b:s4+s16], $0x40, s29, s16, $0xb8;
	[tilespmem:$0x16400] =	vst v63  }
0x6a: {  	_ =	swait.ge [sflag:s23], $0x2000  }
0x6b: {  	s24 =	rddreg [dreg:$0x8];
	[sflag:s23] =	ssyncset.done $0x0  }
0x6c: {  	[sflag:s23] =	ssyncadd.s32 $0xFFFFE000;
	s21 =	sadd.s32 s2, s24  }
0x6d: {  	[hbm4b:s21+s3] =	stream.linear.scatter [tilespmem:s20], [sflag:$0x2], $0x2000, $0x38;
	[tilespmem:$0x16400] =	vst v63  }
0x6e: {  	_ =	swait.ge [sflag:s0], $0x2000  }
0x6f: {  	[sflag:s0] =	ssyncset.done $0x0  }
0x70: {  	s26 =	simm.s32 $0x700;
	[sflag:s0] =	ssyncadd.s32 $0xFFFFE000  }
0x71: {  	[tilespmem:s30], [sflag:$0x1] =	stream.indirect.gather [hbm4b:s4+s16], $0x40, s26, s16, $0xb8;
	[tilespmem:$0x16400] =	vst v63  }
0x72: {  	_ =	swait.ge [sflag:s23], $0x2000  }
0x73: {  	s29 =	rddreg [dreg:$0x7];
	[sflag:s23] =	ssyncset.done $0x0  }
0x74: {  	[sflag:s23] =	ssyncadd.s32 $0xFFFFE000;
	s21 =	sadd.s32 s2, s29  }
0x75: {  	[hbm4b:s21+s3] =	stream.linear.scatter [tilespmem:s22], [sflag:$0x2], $0x2000, $0x38;
	[tilespmem:$0x16400] =	vst v63  }
0x76: {  	_ =	swait.ge [sflag:s0], $0x2000  }
0x77: {  	s24 =	sadd.s32 $0x2000, s2;
	[sflag:s0] =	ssyncset.done $0x0  }
0x78: {  	s26 =	simm.s32 $0x780;
	s21 =	simm.s32 $0x1000;
	[sflag:s0] =	ssyncadd.s32 $0xFFFFE000  }
.LBB2_2:
0x79: {  	[tilespmem:s1], [sflag:$0x1] =	stream.indirect.gather [hbm4b:s4+s16], $0x40, s26, s16, $0xb8;
	[tilespmem:$0x16400] =	vst v63  }
0x7a: {  	_ =	swait.ge [sflag:s23], $0x2000  }
0x7b: {  	s29 =	rddreg [dreg:$0x6];
	[sflag:s23] =	ssyncset.done $0x0  }
0x7c: {  	[sflag:s23] =	ssyncadd.s32 $0xFFFFE000;
	s29 =	sadd.s32 s24, s29  }
0x7d: {  	[hbm4b:s29+s3] =	stream.linear.scatter [tilespmem:s25], [sflag:$0x2], $0x2000, $0x38;
	[tilespmem:$0x16400] =	vst v63  }
0x7e: {  	s26 =	smov.u32 s21;
	_ =	swait.ge [sflag:s0], $0x2000  }
0x7f: {  	s26 =	sshra.s32 s26, $0x2;
	[sflag:s0] =	ssyncset.done $0x0  }
0x80: {  	s29 =	sadd.s32 $0x400, s26;
	[sflag:s0] =	ssyncadd.s32 $0xFFFFE000  }
0x81: {  	[tilespmem:s17], [sflag:$0x1] =	stream.indirect.gather [hbm4b:s4+s16], $0x40, s29, s16, $0xb8;
	[tilespmem:$0x16400] =	vst v63  }
0x82: {  	_ =	swait.ge [sflag:s23], $0x2000  }
0x83: {  	s29 =	rddreg [dreg:$0x5];
	[sflag:s23] =	ssyncset.done $0x0  }
0x84: {  	[sflag:s23] =	ssyncadd.s32 $0xFFFFE000;
	s29 =	sadd.s32 s24, s29  }
0x85: {  	[hbm4b:s29+s3] =	stream.linear.scatter [tilespmem:s28], [sflag:$0x2], $0x2000, $0x38;
	[tilespmem:$0x16400] =	vst v63  }
0x86: {  	_ =	swait.ge [sflag:s0], $0x2000  }
0x87: {  	[sflag:s0] =	ssyncset.done $0x0  }
0x88: {  	s29 =	sadd.s32 $0x480, s26;
	[sflag:s0] =	ssyncadd.s32 $0xFFFFE000  }
0x89: {  	[tilespmem:s18], [sflag:$0x1] =	stream.indirect.gather [hbm4b:s4+s16], $0x40, s29, s16, $0xb8;
	[tilespmem:$0x16400] =	vst v63  }
0x8a: {  	_ =	swait.ge [sflag:s23], $0x2000  }
0x8b: {  	s29 =	rddreg [dreg:$0x4];
	[sflag:s23] =	ssyncset.done $0x0  }
0x8c: {  	[sflag:s23] =	ssyncadd.s32 $0xFFFFE000;
	s29 =	sadd.s32 s24, s29  }
0x8d: {  	[hbm4b:s29+s3] =	stream.linear.scatter [tilespmem:s30], [sflag:$0x2], $0x2000, $0x38;
	[tilespmem:$0x16400] =	vst v63  }
0x8e: {  	_ =	swait.ge [sflag:s0], $0x2000  }
0x8f: {  	[sflag:s0] =	ssyncset.done $0x0  }
0x90: {  	s29 =	sadd.s32 $0x500, s26;
	[sflag:s0] =	ssyncadd.s32 $0xFFFFE000  }
0x91: {  	[tilespmem:s20], [sflag:$0x1] =	stream.indirect.gather [hbm4b:s4+s16], $0x40, s29, s16, $0xb8;
	[tilespmem:$0x16400] =	vst v63  }
0x92: {  	_ =	swait.ge [sflag:s23], $0x2000  }
0x93: {  	s29 =	rddreg [dreg:$0x3];
	[sflag:s23] =	ssyncset.done $0x0  }
0x94: {  	[sflag:s23] =	ssyncadd.s32 $0xFFFFE000;
	s29 =	sadd.s32 s24, s29  }
0x95: {  	[hbm4b:s29+s3] =	stream.linear.scatter [tilespmem:s1], [sflag:$0x2], $0x2000, $0x38;
	[tilespmem:$0x16400] =	vst v63  }
0x96: {  	_ =	swait.ge [sflag:s0], $0x2000  }
0x97: {  	[sflag:s0] =	ssyncset.done $0x0  }
0x98: {  	s29 =	sadd.s32 $0x580, s26;
	[sflag:s0] =	ssyncadd.s32 $0xFFFFE000  }
0x99: {  	[tilespmem:s22], [sflag:$0x1] =	stream.indirect.gather [hbm4b:s4+s16], $0x40, s29, s16, $0xb8;
	[tilespmem:$0x16400] =	vst v63  }
0x9a: {  	_ =	swait.ge [sflag:s23], $0x2000  }
0x9b: {  	s29 =	rddreg [dreg:$0xa];
	[sflag:s23] =	ssyncset.done $0x0  }
0x9c: {  	[sflag:s23] =	ssyncadd.s32 $0xFFFFE000;
	s29 =	sadd.s32 s24, s29  }
0x9d: {  	[hbm4b:s29+s3] =	stream.linear.scatter [tilespmem:s17], [sflag:$0x2], $0x2000, $0x38;
	[tilespmem:$0x16400] =	vst v63  }
0x9e: {  	_ =	swait.ge [sflag:s0], $0x2000  }
0x9f: {  	[sflag:s0] =	ssyncset.done $0x0  }
0xa0: {  	s29 =	sadd.s32 $0x600, s26;
	[sflag:s0] =	ssyncadd.s32 $0xFFFFE000  }
0xa1: {  	[tilespmem:s25], [sflag:$0x1] =	stream.indirect.gather [hbm4b:s4+s16], $0x40, s29, s16, $0xb8;
	[tilespmem:$0x16400] =	vst v63  }
0xa2: {  	_ =	swait.ge [sflag:s23], $0x2000  }
0xa3: {  	s29 =	rddreg [dreg:$0x9];
	[sflag:s23] =	ssyncset.done $0x0  }
0xa4: {  	[sflag:s23] =	ssyncadd.s32 $0xFFFFE000;
	s29 =	sadd.s32 s24, s29  }
0xa5: {  	[hbm4b:s29+s3] =	stream.linear.scatter [tilespmem:s18], [sflag:$0x2], $0x2000, $0x38;
	[tilespmem:$0x16400] =	vst v63  }
0xa6: {  	_ =	swait.ge [sflag:s0], $0x2000  }
0xa7: {  	[sflag:s0] =	ssyncset.done $0x0  }
0xa8: {  	s29 =	sadd.s32 $0x680, s26;
	[sflag:s0] =	ssyncadd.s32 $0xFFFFE000  }
0xa9: {  	[tilespmem:s28], [sflag:$0x1] =	stream.indirect.gather [hbm4b:s4+s16], $0x40, s29, s16, $0xb8;
	[tilespmem:$0x16400] =	vst v63  }
0xaa: {  	_ =	swait.ge [sflag:s23], $0x2000  }
0xab: {  	s29 =	rddreg [dreg:$0x8];
	[sflag:s23] =	ssyncset.done $0x0  }
0xac: {  	[sflag:s23] =	ssyncadd.s32 $0xFFFFE000;
	s29 =	sadd.s32 s24, s29  }
0xad: {  	[hbm4b:s29+s3] =	stream.linear.scatter [tilespmem:s20], [sflag:$0x2], $0x2000, $0x38;
	[tilespmem:$0x16400] =	vst v63  }
0xae: {  	_ =	swait.ge [sflag:s0], $0x2000  }
0xaf: {  	[sflag:s0] =	ssyncset.done $0x0  }
0xb0: {  	s29 =	sadd.s32 $0x700, s26;
	[sflag:s0] =	ssyncadd.s32 $0xFFFFE000  }
0xb1: {  	[tilespmem:s30], [sflag:$0x1] =	stream.indirect.gather [hbm4b:s4+s16], $0x40, s29, s16, $0xb8;
	[tilespmem:$0x16400] =	vst v63  }
0xb2: {  	_ =	swait.ge [sflag:s23], $0x2000  }
0xb3: {  	p0 =	sne.s32 s21, $0x17000;
	s29 =	rddreg [dreg:$0x7];
	[sflag:s23] =	ssyncset.done $0x0  }
.Ltmp0:
0xb4: {  	[sflag:s23] =	ssyncadd.s32 $0xFFFFE000;
	s29 =	sadd.s32 s24, s29;
	(pc) =	sbr.rel @p0 .LBB2_2-.Ltmp0, $4  }
0xb5: {  	[hbm4b:s29+s3] =	stream.linear.scatter [tilespmem:s22], [sflag:$0x2], $0x2000, $0x38;
	[tilespmem:$0x16400] =	vst v63  }
0xb6: {  	_ =	swait.ge [sflag:s0], $0x2000  }
0xb7: {  	s21 =	sadd.s32 $0x1000, s21;
	[sflag:s0] =	ssyncset.done $0x0  }
0xb8: {  	s26 =	sadd.s32 $0x780, s26;
	s24 =	sadd.s32 $0x2000, s24;
	[sflag:s0] =	ssyncadd.s32 $0xFFFFE000  }
0xb9: {  	[tilespmem:s1], [sflag:$0x1] =	stream.indirect.gather [hbm4b:s4+s16], $0x40, s26, s16, $0xb8;
	[tilespmem:$0x16400] =	vst v63  }
0xba: {  	_ =	swait.ge [sflag:s23], $0x2000  }
0xbb: {  	[sflag:s23] =	ssyncset.done $0x0  }
0xbc: {  	[sflag:s23] =	ssyncadd.s32 $0xFFFFE000  }
0xbd: {  	[hbm4b:s10+s3] =	stream.linear.scatter [tilespmem:s25], [sflag:$0x2], $0x2000, $0x38;
	[tilespmem:$0x16400] =	vst v63  }
0xbe: {  	_ =	swait.ge [sflag:s0], $0x2000  }
0xbf: {  	[sflag:s0] =	ssyncset.done $0x0  }
0xc0: {  	[sflag:s0] =	ssyncadd.s32 $0xFFFFE000  }
0xc1: {  	_ =	swait.ge [sflag:s23], $0x2000  }
0xc2: {  	[sflag:s23] =	ssyncset.done $0x0  }
0xc3: {  	[sflag:s23] =	ssyncadd.s32 $0xFFFFE000  }
0xc4: {  	[hbm4b:s11+s3] =	stream.linear.scatter [tilespmem:s28], [sflag:$0x2], $0x2000, $0x38;
	[tilespmem:$0x16400] =	vst v63  }
0xc5: {  	_ =	swait.ge [sflag:s0], $0x2000  }
0xc6: {  	[sflag:s0] =	ssyncset.done $0x0  }
0xc7: {  	[sflag:s0] =	ssyncadd.s32 $0xFFFFE000  }
0xc8: {  	_ =	swait.ge [sflag:s23], $0x2000  }
0xc9: {  	[sflag:s23] =	ssyncset.done $0x0  }
0xca: {  	[sflag:s23] =	ssyncadd.s32 $0xFFFFE000  }
0xcb: {  	[hbm4b:s12+s3] =	stream.linear.scatter [tilespmem:s30], [sflag:$0x2], $0x2000, $0x38;
	[tilespmem:$0x16400] =	vst v63  }
0xcc: {  	_ =	swait.ge [sflag:s0], $0x2000  }
0xcd: {  	[sflag:s0] =	ssyncset.done $0x0  }
0xce: {  	[sflag:s0] =	ssyncadd.s32 $0xFFFFE000  }
0xcf: {  	_ =	swait.ge [sflag:s23], $0x2000  }
0xd0: {  	[sflag:s23] =	ssyncset.done $0x0  }
0xd1: {  	[sflag:s23] =	ssyncadd.s32 $0xFFFFE000  }
0xd2: {  	[hbm4b:s13+s3] =	stream.linear.scatter [tilespmem:s1], [sflag:$0x2], $0x2000, $0x38;
	[tilespmem:$0x16400] =	vst v63  }
0xd3: {  	_ =	swait.ge [sflag:s0], $0x2000  }
0xd4: {  	[sflag:s0] =	ssyncset.done $0x0  }
0xd5: {  	[sflag:s0] =	ssyncadd.s32 $0xFFFFE000  }
0xd6: {  	_ =	swait.ge [sflag:s0], $0x2000  }
0xd7: {  	[sflag:s0] =	ssyncset.done $0x0  }
0xd8: {  	[sflag:s0] =	ssyncadd.s32 $0xFFFFE000  }
0xd9: {  	_ =	swait.ge [sflag:s0], $0x2000  }
0xda: {  	[sflag:s0] =	ssyncset.done $0x0  }
0xdb: {  	s19 =	sadd.s32 $0x1, s19;
	[sflag:s0] =	ssyncadd.s32 $0xFFFFE000  }
0xdc: {  	p0 =	sne.s32 s19, s14;
	_ =	swait.ge [sflag:s0], $0x2000  }
.Ltmp1:
0xdd: {  	[sflag:s0] =	ssyncset.done $0x0;
	(pc) =	sbr.rel @p0 .LBB2_1-.Ltmp1, $4  }
0xde: {  	[sflag:s0] =	ssyncadd.s32 $0xFFFFE000  }
0xdf: {  	_ =	swait.ge [sflag:s0], $0x2000  }
0xe0: {  	[sflag:s0] =	ssyncset.done $0x0  }
0xe1: {  	[sflag:s0] =	ssyncadd.s32 $0xFFFFE000  }
0xe2: {  	_ =	sfence.sel $0x180000  }
0xe3: {  	[bflag:$0x0] =	sbarrier.arrive $0xFFFF  }
0xe4: {  	_ =	strace $0x90000047  }
0xe5: {  	s0 =	stileid.u32;
	[bflag:$0x2] =	sbarrier.arrive $0xFFFF  }
0xe6: {  	p0 =	sne.s32 s0, $0x0;
	s0 =	rddreg [dreg:$0x2]  }
0xe7: {  	s0 =	sadd.s32 @!p0 $0x100000, s0  }
0xe8: {  	[sflag:s0] =	ssyncadd.tile.s32 @!p0 $0x1;
	_ =	shalt  }
.Lfunc_end2:
_tile_overlayer_lowered:
.L_overlay_start_2:
0xe9: {  	(tag) =	ssettag $0x2  }
0xea: {  	s0 =	rddreg [dreg:$0x0];
	s2 =	stileid.u32  }
0xeb: {  	s1 =	rddreg [dreg:$0x1];
	p0 =	sne.s32 s2, $0x0  }
0xec: {  	s3 =	rddreg [dreg:$0x2];
	[bflag:$0x3] =	sbarrier.arrive $0xFFFF;
	s2 =	simm.s32 @!p0 $0x1C03  }
0xed: {  	[timem:s3], [sflag:s2] =	dma.local @!p0 [hbm:s0], s1  }
0xee: {  	s0 =	simm.s32 @!p0 $0x3  }
0xef: {  	_ =	swait.ge @!p0 [sflag:s0], s1  }
0xf0: {  	s1 =	ssub.s32 @!p0 $0x0, s1;
	[sflag:s0] =	ssyncset.done @!p0 $0x0  }
0xf1: {  	[sflag:s0] =	ssyncadd.s32 @!p0 s1  }
0xf2: {  	[bflag:$0x3] =	sbarrier.arrive $0xFFFF  }
0xf3: {  	_ =	shalt  }

// kernel: sparse-core-data-format-call.cloned.1.call-start
scs
called_computation_lowered:
.L_overlay_start_0:
0x0: {  	s2 =	sld [smem:$0x3FD9]  }
0x1: {  	s3 =	sld [smem:$0x3FFE];
	_ =	sdelay $0x1  }
0x2: {  	s1 =	srdreg.scid  }
0x3: {  	s0 =	sand.u32 $0x1, s1  }
0x4: {  	s18 =	sshll.u32 s0, $0xA;
	s2 =	sadd.s32 s3, s2  }
0x5: {  	s2 =	sadd.s32 s2, s18  }
0x6: {  	[smem:$0x3FC6] =	sst s2  }
0x7: {  	_ = 	snop  }
0x8: {  	s2 =	sld [smem:$0x3FD0];
	(tm) =	ssettm $0x1  }
0x9: {  	s19 =	sld [smem:$0x3FFB];
	_ =	sdelay $0x3  }
0xa: {  	_ =	strace s19  }
0xb: {  	s3 =	sld [smem:$0x3FFC];
	_ =	sdelay $0x3  }
0xc: {  	_ =	strace s3  }
0xd: {  	s3 =	sld [smem:$0x3FFD];
	_ =	sdelay $0x3  }
0xe: {  	_ =	strace s3  }
0xf: {  	_ =	strace $0x8FFFFFFF  }
0x10: {  	s20 =	sld [smem:$0x3FDB];
	_ =	sdelay $0x1  }
0x11: {  	s4 =	simm.s32 $_scs_section_size  }
0x12: {  	s5 =	simm.s32 $_size__tile_overlayer_lowered;
	s6 =	simm.s32 $_tile_overlayer_lowered  }
0x13: {  	s23 =	simm.s32 $0x1BFF;
	s22 =	sshll.u32 s6, $0x1;
	s3 =	sadd.s32 s4, s20  }
0x14: {  	s7 =	simm.s32 $0x0;
	s21 =	sshll.u32 s5, $0x1;
	s5 =	sadd.s32 s22, s3  }
0x15: {  	[timem:s7], [sflag:s23] =	dma.local [hbm:s5], s21  }
0x16: {  	_ =	swait.ge [sflag:s23], s21  }
0x17: {  	s4 =	ssub.s32 $0x0, s21;
	[sflag:s23] =	ssyncset.done $0x0  }
0x18: {  	[sflag:s23] =	ssyncadd.s32 s4;
	_ =	sdelay $0x1  }
0x19: {  	s24 =	simm.s32 $0x1B8B  }
0x1a: {  	_ =	swait.ge [sflag:s24], $0x1  }
0x1b: {  	[sflag:s24] =	ssyncset.done $0x0  }
0x1c: {  	s26 =	simm.s32 $0x1B8E;
	s25 =	sld [smem:$0x3FFE];
	[sflag:s24] =	ssyncadd.s32 $0xFFFFFFFF  }
0x1d: {  	s27 =	simm.s32 $execute0_lowered;
	[smem:$0x3FD2] =	sst s26  }
0x1e: {  	s5 =	sshll.u32 s27, $0x1;
	_ =	strace $0x80000049;
	[dreg:$0x1] =	wrdreg $0xFFFFFFFF  }
0x1f: {  	s28 =	simm.s32 $_size_execute0_lowered;
	s3 =	sadd.s32 s3, s5;
	[dreg:$0x0] =	wrdreg $0x0  }
0x20: {  	s5 =	sshll.u32 s28, $0x1;
	[dreg:$0x2] =	wrdreg s3  }
0x21: {  	[dreg:$0x3] =	wrdreg s5  }
0x22: {  	[dreg:$0x4] =	wrdreg $0xC0  }
0x23: {  	_ =	task [dreg:s7], $0x5FFFF  }
0x24: {  	[dreg:$0x1] =	wrdreg $0xFFFFFFFF  }
0x25: {  	[dreg:$0x0] =	wrdreg $0x60  }
0x26: {  	[dreg:$0x2] =	wrdreg s25  }
0x27: {  	[dreg:$0x3] =	wrdreg s2  }
0x28: {  	[dreg:$0x4] =	wrdreg $0x9  }
0x29: {  	_ =	task.clear_ibuf [dreg:s7], $0x5FFFF;
	_ =	strace $0x90000049  }
0x2a: {  	s29 =	simm.s32 $0x9;
	_ =	strace $0x8000004B  }
0x2b: {  	_ =	swait.ge [sflag:s29], $0x1  }
0x2c: {  	[sflag:s29] =	ssyncadd.s32 $0xFFFFFFFF  }
0x2d: {  	_ =	strace $0x9000004B  }
0x2e: {  	_ =	sfence  }
0x2f: {  	s30 =	sld [smem:$0x0];
	_ =	sdelay $0x2  }
0x30: {  	s31 =	sshll.u32 s1, $0xD;
	s1 =	sshrl.u32 s1, $0x2  }
0x31: {  	s3 =	sand.u32 $0x4000, s31;
	s1 =	sadd.s32 s1, s30  }
0x32: {  	s0 =	sor.u32 s3, s0;
	s1 =	sshll.u32 s1, $0x11  }
0x33: {  	s0 =	sor.u32 s1, s0  }
0x34: {  	s0 =	sadd.s32 $0x8F2B, s0  }
0x35: {  	[sflag:s0] =	ssyncadd.remote.s32 $0x1  }
0x36: {  	_ =	sfence.sel $0xFFFF  }
0x37: {  	[dreg:$0x0] =	wrdreg $0xFFFFFFFF;
	(pc) =	sbr.abs _section_cstart, $3  }
0x38: {  	[dreg:$0x1] =	wrdreg $0xFFFFFFFF  }
0x39: {  	_ =	task.clear_ibuf [dreg:s7], $0x2FFFF;
	_ =	strace $0x9FFFFFFF  }
0x3a: {  	(tm) =	ssettm $0x7FFFFFFF  }
0x3b: {  	_ =	shalt  }
tec
execute0_lowered:
.L_overlay_start_1:
0x0: {  	(tag) =	ssettag $0x1  }
0x1: {  	s0 =	srdreg.scid  }
0x2: {  	s1 =	sshll.u32 s0, $0x4  }
0x3: {  	s0 =	stileid.u32;
	s1 =	sand.u32 $0x10, s1  }
0x4: {  	s1 =	sor.u32 s0, s1  }
0x5: {  	s6 =	rddreg [dreg:$0x0];
	s4 =	simm.s32 $0x1;
	s2 =	sshll.u32 s1, $0x7  }
0x6: {  	s7 =	simm.s32 $0x2;
	s12 =	simm.s32 $0x0;
	s1 =	ssub.s32 $0x4000, s2  }
0x7: {  	s8 =	simm.s32 $0x20000;
	s13 =	simm.s32 $0x0;
	s3 =	sand.u32 $0xF80, s1  }
0x8: {  	s9 =	simm.s32 $0x0;
	s5 =	sshrl.u32 s1, $0xC;
	p0 =	sne.s32 s3, $0x0  }
.Ltmp0:
0x9: {  	s1 =	rddreg [dreg:$0x2];
	s4 =	simm.s32 @!p0 $0x0;
	(pc) =	sbr.rel .LBB1_1-.Ltmp0, $4  }
0xa: {  	s11 =	simm.s32 $0x0;
	s3 =	rddreg [dreg:$0x1];
	s5 =	sadd.s32 s4, s5  }
0xb: {  	_ =	strace $0x8000004A;
	s4 =	simm.s32 $0x1;
	s5 =	smul.u32 $0x32, s5  }
0xc: {  	s6 =	sadd.s32 $0xA00, s6;
	s10 =	smov.u32 s2;
	[sflag:s4] =	ssyncpa.u1 $0x0  }
0xd: {  	p0 =	por $0x0, $0x0;
	[sflag:s7] =	ssyncpa.u1 $0x0;
	s7 =	sor.u32 $0x1, s5  }
.LBB1_4:
0xe: {  	s16 =	sshll.u32 s13, $0x3;
	s17 =	sand.u32 $0x78, s13  }
0xf: {  	s30 =	sand.u32 $0x1F800, s13;
	s12 =	sshll.u32 s12, $0x11;
	s16 =	sand.u32 $0x3C00, s16  }
0x10: {  	[tilespmem:s15+$0x810 ss:$0x81] =	vst.msk $0xffff, v2;
	s31 =	sand.u32 $0x7, s13;
	s16 =	sor.u32 s17, s16;
	s17 =	sadd.s32 s3, s30  }
0x11: {  	[tilespmem:s15+$0x1020 ss:$0x81] =	vst.msk $0xffff, v0;
	s13 =	sshll.u32 s31, $0x12;
	s12 =	sadd.s32 s12, s17;
	s16 =	sshrl.u32 s16, $0x3  }
0x12: {  	[tilespmem:s15+$0x0 ss:$0x81] =	vst.msk $0xffff, v1;
	s13 =	sor.u32 $0x400, s13;
	s12 =	sadd.s32 s16, s12  }
0x13: {  	[hbm4b:s12+s13] =	stream.strided.scatter [tilespmem:s14], [sflag:$0x2], $0x2000, s8, s13, $0x20;
	[tilespmem:$0x8080] =	vst v63  }
.LBB1_5:
0x14: {  	s14 =	sadd.s32 $0x1, s9  }
0x15: {  	s12 =	sadd.s32 $0x1000, s10;
	s16 =	smov.u32 s10;
	p2 =	sgt.s32 s14, $0x31  }
0x16: {  	s16 =	smov.u32 @p2 s12  }
0x17: {  	s14 =	simm.s32 @p2 $0x0;
	p2 =	sgt.s32 s16, $0x3FFF  }
0x18: {  	s16 =	smov.u32 @p2 s2;
	p2 =	sne.s32 s11, s7  }
.Ltmp1:
0x19: {  	p1 =	slt.u32 s11, $0x2;
	(pc) =	sbr.rel @!p2 .LBB1_6-.Ltmp1, $4  }
0x1a: {  	s15 =	simm.s32 @!p1 $0x2  }
0x1b: {  	s13 =	smov.u32 s10;
	p0 =	por !p0, !p0;
	_ =	swait.ge @!p1 [sflag:s15], $0x2000  }
0x1c: {  	s12 =	smov.u32 s9;
	[sflag:s15] =	ssyncset.done @!p1 $0x0;
	s9 =	smov.u32 s14  }
0x1d: {  	s11 =	sadd.s32 $0x1, s11;
	[sflag:s15] =	ssyncadd.s32 @!p1 $0xFFFFE000;
	s10 =	smov.u32 s16  }
.LBB1_1:
0x1e: {  	p1 =	sge.u32 s11, s5  }
0x1f: {  	s14 =	sand.u32 @!p1 $0x1FFFFFF, s9  }
0x20: {  	s15 =	smulhi.u32 @!p1 $0x4924925, s14;
	_ =	sdelay $0x1  }
0x21: {  	s15 =	smul.u32 @!p1 $0x38, s15  }
0x22: {  	s16 =	sxor.u32 @!p1 $0xFFFFFFFF, s11;
	s17 =	smul.u32 @!p1 $0x380, s10  }
0x23: {  	s31 =	sadd.s32 $0xFFFFFFFF, s11;
	s16 =	sshll.u32 @!p1 s16, $0xD;
	s14 =	ssub.s32 @!p1 s14, s15  }
0x24: {  	s15 =	sand.u32 @!p1 $0x2000, s16;
	s16 =	sadd.s32 @!p1 s6, s17;
	s14 =	sshll.u32 @!p1 s14, $0x4  }
0x25: {  	s17 =	simm.s32 @!p1 $0x1C00;
	s14 =	sadd.s32 @!p1 s14, s16;
	s16 =	simm.s32 @!p1 $0x40  }
0x26: {  	[tilespmem:s15], [sflag:$0x1] =	stream.strided.gather @!p1 [hbm4b:s14+s16], $0x2000, s17, s16, $0x38;
	[tilespmem:$0x8080] =	vst v63  }
0x27: {  	p1 =	sge.u32 s31, s5  }
.Ltmp2:
0x28: {  	_ = 	snop;
	(pc) =	sbr.rel @p1 .LBB1_5-.Ltmp2, $1  }
0x29: {  	_ =	sdelay $0x3  }
0x2a: {  	s14 =	simm.s32 $0x1  }
0x2b: {  	_ =	swait.ge [sflag:s4], $0x2000;
	s14 =	simm.s32 @!p0 $0x0  }
0x2c: {  	[sflag:s4] =	ssyncset.done $0x0;
	s15 =	sshll.u32 s14, $0xD  }
0x2d: {  	[sflag:s4] =	ssyncadd.s32 $0xFFFFE000;
	s18 =	sor.u32 $0x20, s15  }
0x2e: {  	s14 =	smul.u32 $0x8100, s14;
	v3 =	vld [tilespmem:s18+$0x10]  }
0x2f: {  	s30 =	sand.u32 $0x1, s11;
	v2 =	vld [tilespmem:s18+$0xFFFFFFF0]  }
0x30: {  	s15 =	smul.u32 $0x8100, s30;
	s14 =	sshrl.u32 s14, $0x2;
	v0 =	vld [tilespmem:s18+$0x0]  }
0x31: {  	v1 =	vld [tilespmem:s18+$0xFFFFFFE0];
	s16 =	sor.u32 $0x4000, s14  }
0x32: {  	s31 =	sshrl.u32 s15, $0x2;
	s15 =	sadd.s32 $0x0, s16  }
0x33: {  	s17 =	simm.s32 $0x4;
	s18 =	sadd.s32 $0x40, s18;
	s14 =	sor.u32 $0x4000, s31;
	[tilespmem:s15+$0x1830 ss:$0x81] =	vst.msk $0xffff, v3  }
.LBB1_3:
0x34: {  	v3 =	vld [tilespmem:s18+$0x10];
	p1 =	sne.s32 s17, $0x1FC;
	[tilespmem:s15+$0x810 ss:$0x81] =	vst.msk $0xffff, v2;
	s19 =	smov.u32 s17;
	s17 =	sadd.s32 $0x4, s17  }
.Ltmp3:
0x35: {  	v2 =	vld [tilespmem:s18+$0xFFFFFFF0];
	[tilespmem:s15+$0x1020 ss:$0x81] =	vst.msk $0xffff, v0;
	(pc) =	sbr.rel @p1 .LBB1_3-.Ltmp3, $4  }
0x36: {  	v0 =	vld [tilespmem:s18+$0x0];
	[tilespmem:s15+$0x0 ss:$0x81] =	vst.msk $0xffff, v1  }
0x37: {  	s15 =	sshra.s32 s19, $0x2;
	v1 =	vld [tilespmem:s18+$0xFFFFFFE0]  }
0x38: {  	s15 =	sadd.s32 s15, s16  }
0x39: {  	s18 =	sadd.s32 $0x40, s18;
	[tilespmem:s15+$0x1830 ss:$0x81] =	vst.msk $0xffff, v3  }
.Ltmp4:
0x3a: {  	_ = 	snop;
	(pc) =	sbr.rel .LBB1_4-.Ltmp4, $1  }
0x3b: {  	_ =	sdelay $0x3  }
.LBB1_6:
0x3c: {  	_ =	sfence.sel $0x180000  }
0x3d: {  	s2 =	simm.s32 $0x1;
	[bflag:$0x0] =	sbarrier.arrive $0xFFFF  }
0x3e: {  	s31 =	simm.s32 $0x2;
	[sflag:s2] =	ssyncpa.u1 $0x1  }
0x3f: {  	[sflag:s31] =	ssyncpa.u1 $0x1  }
0x40: {  	p0 =	sne.s32 s0, $0x0;
	_ =	strace $0x9000004A  }
0x41: {  	s0 =	sadd.s32 @!p0 $0x100000, s1;
	[bflag:$0x2] =	sbarrier.arrive $0xFFFF  }
0x42: {  	[sflag:s0] =	ssyncadd.tile.s32 @!p0 $0x1;
	_ =	shalt  }
.Lfunc_end1:
_tile_overlayer_lowered:
.L_overlay_start_2:
0x43: {  	(tag) =	ssettag $0x2  }
0x44: {  	s0 =	rddreg [dreg:$0x0];
	s2 =	stileid.u32  }
0x45: {  	s1 =	rddreg [dreg:$0x1];
	p0 =	sne.s32 s2, $0x0  }
0x46: {  	s3 =	rddreg [dreg:$0x2];
	[bflag:$0x3] =	sbarrier.arrive $0xFFFF;
	s2 =	simm.s32 @!p0 $0x1C01  }
0x47: {  	[timem:s3], [sflag:s2] =	dma.local @!p0 [hbm:s0], s1  }
0x48: {  	s0 =	simm.s32 @!p0 $0x1  }
0x49: {  	_ =	swait.ge @!p0 [sflag:s0], s1  }
0x4a: {  	s1 =	ssub.s32 @!p0 $0x0, s1;
	[sflag:s0] =	ssyncset.done @!p0 $0x0  }
0x4b: {  	[sflag:s0] =	ssyncadd.s32 @!p0 s1  }
0x4c: {  	[bflag:$0x3] =	sbarrier.arrive $0xFFFF  }
0x4d: {  	_ =	shalt  }

</sc_bundles>
